<compile_context>
chip_gen: v7x
topology: tpu7x:2x2x1
jax: 0.10.2.dev20260603
libtpu: 0.0.44.dev20260713+nightly
codegen_flags: <defaults>
</compile_context>

<pallas_src>
import functools
import math

import jax
import jax.numpy as jnp
from jax import lax
from jax.experimental import pallas as pl
from jax.experimental.pallas import tpu as pltpu
from jax.experimental.pallas import tpu_sc as plsc

_BATCH = 16384
_NW = 32
_BPW = _BATCH // _NW
_HALF = _BPW // 2
_LANES = 16
_C = math.log(10.0) / 400.0


def _bt_body(idxc_hbm, elos_hbm, out_hbm, ic_v, e_v, ssem, gsem0, osem):
    wid = lax.axis_index("s") * 2 + lax.axis_index("c")
    base = wid * _BPW

    pltpu.async_copy(idxc_hbm.at[pl.ds(2 * base, 2 * _BPW)], ic_v, ssem).wait()

    gsems = (gsem0, ssem)
    gathers = [
        pltpu.async_copy(
            elos_hbm.at[ic_v.at[pl.ds(h * _BPW, _BPW)]],
            e_v.at[pl.ds(h * _BPW, _BPW)], gsems[h])
        for h in range(2)
    ]

    stores = []
    for h in range(2):
        gathers[h].wait()
        for k in range(_HALF // _LANES):
            a = e_v[pl.ds(h * _BPW + k * _LANES, _LANES)]
            b = e_v[pl.ds(h * _BPW + _HALF + k * _LANES, _LANES)]
            e = jnp.exp((b - a) * _C)
            e_v[pl.ds(h * _BPW + k * _LANES, _LANES)] = 1.0 / (1.0 + e)
        stores.append(pltpu.async_copy(
            e_v.at[pl.ds(h * _BPW, _HALF)],
            out_hbm.at[pl.ds(base + h * _HALF, _HALF)], osem))
    for c in stores:
        c.wait()


@jax.jit
def kernel(idx_a, idx_b, elos):
    mesh = plsc.VectorSubcoreMesh(core_axis_name="c", subcore_axis_name="s")
    run = functools.partial(
        pl.kernel,
        mesh=mesh,
        out_type=jax.ShapeDtypeStruct((_BATCH,), jnp.float32),
        scratch_types=[
            pltpu.VMEM((2 * _BPW,), jnp.int32),
            pltpu.VMEM((2 * _BPW,), jnp.float32),
            pltpu.SemaphoreType.DMA,
            pltpu.SemaphoreType.DMA,
            pltpu.SemaphoreType.DMA,
        ],
    )(_bt_body)
    a = idx_a.astype(jnp.int32).reshape(_NW, 2, _HALF)
    b = idx_b.astype(jnp.int32).reshape(_NW, 2, _HALF)
    idxc = jnp.stack([a, b], axis=2).reshape(-1)
    return run(idxc, elos)

# --- scband reference (transcript-rebuilt; emitter-appended) ---
"""Pipeline reference for scband-bradley-terry-model-7722351198772 (READ-ONLY COPY).

The authoritative reference and input builder live on the scoring server;
editing this copy changes nothing except your own understanding.
"""

import jax, jax.numpy as jnp
import numpy as np

NUM_MODELS = 1000000
BATCH = 16384
INIT_MEAN = 1500.0
INIT_STD = 50.0


def setup_inputs(seed: int = 0) -> dict:
    key = jax.random.key(seed)
    k_elos, k_a, k_b = jax.random.split(key, 3)
    elos = jax.random.normal(k_elos, (NUM_MODELS,), dtype=jnp.float32) * INIT_STD + INIT_MEAN
    idx_a = jax.random.randint(k_a, (BATCH,), 0, NUM_MODELS, dtype=jnp.int64 if jax.config.jax_enable_x64 else jnp.int32)
    idx_b = jax.random.randint(k_b, (BATCH,), 0, NUM_MODELS, dtype=jnp.int64 if jax.config.jax_enable_x64 else jnp.int32)
    return {"idx_a": idx_a, "idx_b": idx_b, "elos": elos}


def reference(idx_a, idx_b, elos):
    elo_a = jnp.take(elos, idx_a, axis=0)
    elo_b = jnp.take(elos, idx_b, axis=0)
    elo_diff = (elo_b - elo_a) / 400.0
    p_a_wins = jax.nn.sigmoid(-elo_diff * jnp.log(jnp.array(10.0, dtype=jnp.float32)))
    return p_a_wins

if __name__ == "__main__":
    import jax
    _d = setup_inputs()
    print(jax.jit(kernel)(*tuple(_d.values())))

</pallas_src>

<mosaic_0001>
#map = affine_map<(d0, d1) -> (0)>
module attributes {stable_mosaic.version = 14 : i64} {
  func.func @_bt_body(%arg0: i32, %arg1: i32, %arg2: memref<32768xi32, #tpu.memory_space<hbm>>, %arg3: memref<1000000xf32, #tpu.memory_space<hbm>>, %arg4: memref<16384xf32, #tpu.memory_space<hbm>>, %arg5: memref<1024xi32, #tpu.memory_space<vmem>>, %arg6: memref<1024xf32, #tpu.memory_space<vmem>>, %arg7: memref<!tpu.dma_semaphore, #tpu.memory_space<semaphore_mem>>, %arg8: memref<!tpu.dma_semaphore, #tpu.memory_space<semaphore_mem>>, %arg9: memref<!tpu.dma_semaphore, #tpu.memory_space<semaphore_mem>>) attributes {dimension_semantics = [#tpu.dimension_semantics<core_parallel>, #tpu.dimension_semantics<subcore_parallel>], iteration_bounds = array<i64: 2, 16>, scalar_prefetch = 0 : i64, scratch_operands = 5 : i64, tpu.core_type = #tpu.core_type<sc_vector_subcore>, window_params = [{transform_indices = #map}, {transform_indices = #map}, {transform_indices = #map}]} {
    %mul3A = arith.constant 2 : i32
    %mul3A_0 = arith.muli %arg1, %mul3A : i32
    %add3A = arith.addi %mul3A_0, %arg0 : i32
    %mul3A_1 = arith.constant 512 : i32
    %mul3A_2 = arith.muli %add3A, %mul3A_1 : i32
    %mul3A_3 = arith.constant 2 : i32
    %mul3A_4 = arith.muli %mul3A_3, %mul3A_2 : i32
    %dma_start3A = tpu.memref_slice %arg2[%mul3A_4] : memref<32768xi32, #tpu.memory_space<hbm>> -> memref<1024xi32, #tpu.memory_space<hbm>>
    %dma_start3A_5 = tpu.memref_slice %arg2[%mul3A_4] : memref<32768xi32, #tpu.memory_space<hbm>> -> memref<1024xi32, #tpu.memory_space<hbm>>
    tpu.enqueue_dma source(%dma_start3A_5 : memref<1024xi32, #tpu.memory_space<hbm>>) target(%arg5 : memref<1024xi32, #tpu.memory_space<vmem>>) target_semaphore(%arg7 : memref<!tpu.dma_semaphore, #tpu.memory_space<semaphore_mem>>)
    %dma_wait3A = tpu.memref_slice %arg2[%mul3A_4] : memref<32768xi32, #tpu.memory_space<hbm>> -> memref<1024xi32, #tpu.memory_space<hbm>>
    %dma_wait3A_6 = tpu.memref_slice %arg2[%mul3A_4] : memref<32768xi32, #tpu.memory_space<hbm>> -> memref<1024xi32, #tpu.memory_space<hbm>>
    tpu.wait_dma2 semaphore(%arg7 : memref<!tpu.dma_semaphore, #tpu.memory_space<semaphore_mem>>) src(%dma_wait3A_6 : memref<1024xi32, #tpu.memory_space<hbm>>) dst(%arg5 : memref<1024xi32, #tpu.memory_space<vmem>>)
    %dma_start3A_7 = arith.constant 0 : i32
    %dma_start3A_8 = tpu.memref_slice %arg6[%dma_start3A_7] : memref<1024xf32, #tpu.memory_space<vmem>> -> memref<512xf32, #tpu.memory_space<vmem>>
    %dma_start3A_9 = arith.constant 0 : i32
    %dma_start3A_10 = tpu.memref_slice %arg5[%dma_start3A_9] : memref<1024xi32, #tpu.memory_space<vmem>> -> memref<512xi32, #tpu.memory_space<vmem>>
    %dma_start3A_11 = arith.constant 0 : i32
    %dma_start3A_12 = tpu.memref_slice %arg3[%dma_start3A_11] : memref<1000000xf32, #tpu.memory_space<hbm>> -> memref<1000000xf32, #tpu.memory_space<hbm>>
    tpu.enqueue_indirect_dma source(%dma_start3A_12 : memref<1000000xf32, #tpu.memory_space<hbm>>) target(%dma_start3A_8 : memref<512xf32, #tpu.memory_space<vmem>>) offsets(%dma_start3A_10 : memref<512xi32, #tpu.memory_space<vmem>>) semaphore(%arg8 : memref<!tpu.dma_semaphore, #tpu.memory_space<semaphore_mem>>)
    %dma_start3A_13 = arith.constant 512 : i32
    %dma_start3A_14 = tpu.memref_slice %arg6[%dma_start3A_13] : memref<1024xf32, #tpu.memory_space<vmem>> -> memref<512xf32, #tpu.memory_space<vmem>>
    %dma_start3A_15 = arith.constant 512 : i32
    %dma_start3A_16 = tpu.memref_slice %arg5[%dma_start3A_15] : memref<1024xi32, #tpu.memory_space<vmem>> -> memref<512xi32, #tpu.memory_space<vmem>>
    %dma_start3A_17 = arith.constant 0 : i32
    %dma_start3A_18 = tpu.memref_slice %arg3[%dma_start3A_17] : memref<1000000xf32, #tpu.memory_space<hbm>> -> memref<1000000xf32, #tpu.memory_space<hbm>>
    tpu.enqueue_indirect_dma source(%dma_start3A_18 : memref<1000000xf32, #tpu.memory_space<hbm>>) target(%dma_start3A_14 : memref<512xf32, #tpu.memory_space<vmem>>) offsets(%dma_start3A_16 : memref<512xi32, #tpu.memory_space<vmem>>) semaphore(%arg7 : memref<!tpu.dma_semaphore, #tpu.memory_space<semaphore_mem>>)
    %dma_wait3A_19 = arith.constant 0 : i32
    %dma_wait3A_20 = tpu.memref_slice %arg6[%dma_wait3A_19] : memref<1024xf32, #tpu.memory_space<vmem>> -> memref<512xf32, #tpu.memory_space<vmem>>
    %dma_wait3A_21 = arith.constant 0 : i32
    %dma_wait3A_22 = tpu.memref_slice %arg5[%dma_wait3A_21] : memref<1024xi32, #tpu.memory_space<vmem>> -> memref<512xi32, #tpu.memory_space<vmem>>
    %dma_wait3A_23 = arith.constant 0 : i32
    %dma_wait3A_24 = tpu.memref_slice %arg3[%dma_wait3A_23] : memref<1000000xf32, #tpu.memory_space<hbm>> -> memref<1000000xf32, #tpu.memory_space<hbm>>
    tpu.wait_indirect_dma semaphore(%arg8 : memref<!tpu.dma_semaphore, #tpu.memory_space<semaphore_mem>>) src(%dma_wait3A_24 : memref<1000000xf32, #tpu.memory_space<hbm>>) dst(%dma_wait3A_20 : memref<512xf32, #tpu.memory_space<vmem>>)
    %get3A = arith.constant 0 : index
    %get3A_25 = tpu.vector_load %arg6[%get3A] {strides = array<i32>} : memref<1024xf32, #tpu.memory_space<vmem>>, vector<16xf32>,
    %get3A_26 = vector.shape_cast %get3A_25 : vector<16xf32> to vector<16xf32>
    %get3A_27 = arith.constant 256 : index
    %get3A_28 = tpu.vector_load %arg6[%get3A_27] {strides = array<i32>} : memref<1024xf32, #tpu.memory_space<vmem>>, vector<16xf32>,
    %get3A_29 = vector.shape_cast %get3A_28 : vector<16xf32> to vector<16xf32>
    %sub3A = arith.subf %get3A_29, %get3A_26 : vector<16xf32>
    %mul3A_30 = arith.constant 0.00575646292 : f32
    %mul3A_31 = vector.broadcast %mul3A_30 : f32 to vector<16xf32>
    %mul3A_32 = arith.mulf %sub3A, %mul3A_31 : vector<16xf32>
    %exp3A = math.exp %mul3A_32 : vector<16xf32>
    %add3A_33 = arith.constant 1.000000e+00 : f32
    %add3A_34 = vector.broadcast %add3A_33 : f32 to vector<16xf32>
    %add3A_35 = arith.addf %add3A_34, %exp3A : vector<16xf32>
    %div3A = arith.constant 1.000000e+00 : f32
    %div3A_36 = vector.broadcast %div3A : f32 to vector<16xf32>
    %div3A_37 = arith.divf %div3A_36, %add3A_35 : vector<16xf32>
    %swap3A = arith.constant 0 : index
    %swap3A_38 = tpu.vector_load %arg6[%swap3A] {strides = array<i32>} : memref<1024xf32, #tpu.memory_space<vmem>>, vector<16xf32>,
    %swap3A_39 = vector.shape_cast %swap3A_38 : vector<16xf32> to vector<16xf32>
    %swap3A_40 = vector.shape_cast %div3A_37 : vector<16xf32> to vector<16xf32>
    tpu.vector_store %arg6[%swap3A], %swap3A_40 {strides = array<i32>} : memref<1024xf32, #tpu.memory_space<vmem>>, vector<16xf32>,
    %get3A_41 = arith.constant 16 : index
    %get3A_42 = tpu.vector_load %arg6[%get3A_41] {strides = array<i32>} : memref<1024xf32, #tpu.memory_space<vmem>>, vector<16xf32>,
    %get3A_43 = vector.shape_cast %get3A_42 : vector<16xf32> to vector<16xf32>
    %get3A_44 = arith.constant 272 : index
    %get3A_45 = tpu.vector_load %arg6[%get3A_44] {strides = array<i32>} : memref<1024xf32, #tpu.memory_space<vmem>>, vector<16xf32>,
    %get3A_46 = vector.shape_cast %get3A_45 : vector<16xf32> to vector<16xf32>
    %sub3A_47 = arith.subf %get3A_46, %get3A_43 : vector<16xf32>
    %mul3A_48 = arith.constant 0.00575646292 : f32
    %mul3A_49 = vector.broadcast %mul3A_48 : f32 to vector<16xf32>
    %mul3A_50 = arith.mulf %sub3A_47, %mul3A_49 : vector<16xf32>
    %exp3A_51 = math.exp %mul3A_50 : vector<16xf32>
    %add3A_52 = arith.constant 1.000000e+00 : f32
    %add3A_53 = vector.broadcast %add3A_52 : f32 to vector<16xf32>
    %add3A_54 = arith.addf %add3A_53, %exp3A_51 : vector<16xf32>
    %div3A_55 = arith.constant 1.000000e+00 : f32
    %div3A_56 = vector.broadcast %div3A_55 : f32 to vector<16xf32>
    %div3A_57 = arith.divf %div3A_56, %add3A_54 : vector<16xf32>
    %swap3A_58 = arith.constant 16 : index
    %swap3A_59 = tpu.vector_load %arg6[%swap3A_58] {strides = array<i32>} : memref<1024xf32, #tpu.memory_space<vmem>>, vector<16xf32>,
    %swap3A_60 = vector.shape_cast %swap3A_59 : vector<16xf32> to vector<16xf32>
    %swap3A_61 = vector.shape_cast %div3A_57 : vector<16xf32> to vector<16xf32>
    tpu.vector_store %arg6[%swap3A_58], %swap3A_61 {strides = array<i32>} : memref<1024xf32, #tpu.memory_space<vmem>>, vector<16xf32>,
    %get3A_62 = arith.constant 32 : index
    %get3A_63 = tpu.vector_load %arg6[%get3A_62] {strides = array<i32>} : memref<1024xf32, #tpu.memory_space<vmem>>, vector<16xf32>,
    %get3A_64 = vector.shape_cast %get3A_63 : vector<16xf32> to vector<16xf32>
    %get3A_65 = arith.constant 288 : index
    %get3A_66 = tpu.vector_load %arg6[%get3A_65] {strides = array<i32>} : memref<1024xf32, #tpu.memory_space<vmem>>, vector<16xf32>,
    %get3A_67 = vector.shape_cast %get3A_66 : vector<16xf32> to vector<16xf32>
    %sub3A_68 = arith.subf %get3A_67, %get3A_64 : vector<16xf32>
    %mul3A_69 = arith.constant 0.00575646292 : f32
    %mul3A_70 = vector.broadcast %mul3A_69 : f32 to vector<16xf32>
    %mul3A_71 = arith.mulf %sub3A_68, %mul3A_70 : vector<16xf32>
    %exp3A_72 = math.exp %mul3A_71 : vector<16xf32>
    %add3A_73 = arith.constant 1.000000e+00 : f32
    %add3A_74 = vector.broadcast %add3A_73 : f32 to vector<16xf32>
    %add3A_75 = arith.addf %add3A_74, %exp3A_72 : vector<16xf32>
    %div3A_76 = arith.constant 1.000000e+00 : f32
    %div3A_77 = vector.broadcast %div3A_76 : f32 to vector<16xf32>
    %div3A_78 = arith.divf %div3A_77, %add3A_75 : vector<16xf32>
    %swap3A_79 = arith.constant 32 : index
    %swap3A_80 = tpu.vector_load %arg6[%swap3A_79] {strides = array<i32>} : memref<1024xf32, #tpu.memory_space<vmem>>, vector<16xf32>,
    %swap3A_81 = vector.shape_cast %swap3A_80 : vector<16xf32> to vector<16xf32>
    %swap3A_82 = vector.shape_cast %div3A_78 : vector<16xf32> to vector<16xf32>
    tpu.vector_store %arg6[%swap3A_79], %swap3A_82 {strides = array<i32>} : memref<1024xf32, #tpu.memory_space<vmem>>, vector<16xf32>,
    %get3A_83 = arith.constant 48 : index
    %get3A_84 = tpu.vector_load %arg6[%get3A_83] {strides = array<i32>} : memref<1024xf32, #tpu.memory_space<vmem>>, vector<16xf32>,
    %get3A_85 = vector.shape_cast %get3A_84 : vector<16xf32> to vector<16xf32>
    %get3A_86 = arith.constant 304 : index
    %get3A_87 = tpu.vector_load %arg6[%get3A_86] {strides = array<i32>} : memref<1024xf32, #tpu.memory_space<vmem>>, vector<16xf32>,
    %get3A_88 = vector.shape_cast %get3A_87 : vector<16xf32> to vector<16xf32>
    %sub3A_89 = arith.subf %get3A_88, %get3A_85 : vector<16xf32>
    %mul3A_90 = arith.constant 0.00575646292 : f32
    %mul3A_91 = vector.broadcast %mul3A_90 : f32 to vector<16xf32>
    %mul3A_92 = arith.mulf %sub3A_89, %mul3A_91 : vector<16xf32>
    %exp3A_93 = math.exp %mul3A_92 : vector<16xf32>
    %add3A_94 = arith.constant 1.000000e+00 : f32
    %add3A_95 = vector.broadcast %add3A_94 : f32 to vector<16xf32>
    %add3A_96 = arith.addf %add3A_95, %exp3A_93 : vector<16xf32>
    %div3A_97 = arith.constant 1.000000e+00 : f32
    %div3A_98 = vector.broadcast %div3A_97 : f32 to vector<16xf32>
    %div3A_99 = arith.divf %div3A_98, %add3A_96 : vector<16xf32>
    %swap3A_100 = arith.constant 48 : index
    %swap3A_101 = tpu.vector_load %arg6[%swap3A_100] {strides = array<i32>} : memref<1024xf32, #tpu.memory_space<vmem>>, vector<16xf32>,
    %swap3A_102 = vector.shape_cast %swap3A_101 : vector<16xf32> to vector<16xf32>
    %swap3A_103 = vector.shape_cast %div3A_99 : vector<16xf32> to vector<16xf32>
    tpu.vector_store %arg6[%swap3A_100], %swap3A_103 {strides = array<i32>} : memref<1024xf32, #tpu.memory_space<vmem>>, vector<16xf32>,
    %get3A_104 = arith.constant 64 : index
    %get3A_105 = tpu.vector_load %arg6[%get3A_104] {strides = array<i32>} : memref<1024xf32, #tpu.memory_space<vmem>>, vector<16xf32>,
    %get3A_106 = vector.shape_cast %get3A_105 : vector<16xf32> to vector<16xf32>
    %get3A_107 = arith.constant 320 : index
    %get3A_108 = tpu.vector_load %arg6[%get3A_107] {strides = array<i32>} : memref<1024xf32, #tpu.memory_space<vmem>>, vector<16xf32>,
    %get3A_109 = vector.shape_cast %get3A_108 : vector<16xf32> to vector<16xf32>
    %sub3A_110 = arith.subf %get3A_109, %get3A_106 : vector<16xf32>
    %mul3A_111 = arith.constant 0.00575646292 : f32
    %mul3A_112 = vector.broadcast %mul3A_111 : f32 to vector<16xf32>
    %mul3A_113 = arith.mulf %sub3A_110, %mul3A_112 : vector<16xf32>
    %exp3A_114 = math.exp %mul3A_113 : vector<16xf32>
    %add3A_115 = arith.constant 1.000000e+00 : f32
    %add3A_116 = vector.broadcast %add3A_115 : f32 to vector<16xf32>
    %add3A_117 = arith.addf %add3A_116, %exp3A_114 : vector<16xf32>
    %div3A_118 = arith.constant 1.000000e+00 : f32
    %div3A_119 = vector.broadcast %div3A_118 : f32 to vector<16xf32>
    %div3A_120 = arith.divf %div3A_119, %add3A_117 : vector<16xf32>
    %swap3A_121 = arith.constant 64 : index
    %swap3A_122 = tpu.vector_load %arg6[%swap3A_121] {strides = array<i32>} : memref<1024xf32, #tpu.memory_space<vmem>>, vector<16xf32>,
    %swap3A_123 = vector.shape_cast %swap3A_122 : vector<16xf32> to vector<16xf32>
    %swap3A_124 = vector.shape_cast %div3A_120 : vector<16xf32> to vector<16xf32>
    tpu.vector_store %arg6[%swap3A_121], %swap3A_124 {strides = array<i32>} : memref<1024xf32, #tpu.memory_space<vmem>>, vector<16xf32>,
    %get3A_125 = arith.constant 80 : index
    %get3A_126 = tpu.vector_load %arg6[%get3A_125] {strides = array<i32>} : memref<1024xf32, #tpu.memory_space<vmem>>, vector<16xf32>,
    %get3A_127 = vector.shape_cast %get3A_126 : vector<16xf32> to vector<16xf32>
    %get3A_128 = arith.constant 336 : index
    %get3A_129 = tpu.vector_load %arg6[%get3A_128] {strides = array<i32>} : memref<1024xf32, #tpu.memory_space<vmem>>, vector<16xf32>,
    %get3A_130 = vector.shape_cast %get3A_129 : vector<16xf32> to vector<16xf32>
    %sub3A_131 = arith.subf %get3A_130, %get3A_127 : vector<16xf32>
    %mul3A_132 = arith.constant 0.00575646292 : f32
    %mul3A_133 = vector.broadcast %mul3A_132 : f32 to vector<16xf32>
    %mul3A_134 = arith.mulf %sub3A_131, %mul3A_133 : vector<16xf32>
    %exp3A_135 = math.exp %mul3A_134 : vector<16xf32>
    %add3A_136 = arith.constant 1.000000e+00 : f32
    %add3A_137 = vector.broadcast %add3A_136 : f32 to vector<16xf32>
    %add3A_138 = arith.addf %add3A_137, %exp3A_135 : vector<16xf32>
    %div3A_139 = arith.constant 1.000000e+00 : f32
    %div3A_140 = vector.broadcast %div3A_139 : f32 to vector<16xf32>
    %div3A_141 = arith.divf %div3A_140, %add3A_138 : vector<16xf32>
    %swap3A_142 = arith.constant 80 : index
    %swap3A_143 = tpu.vector_load %arg6[%swap3A_142] {strides = array<i32>} : memref<1024xf32, #tpu.memory_space<vmem>>, vector<16xf32>,
    %swap3A_144 = vector.shape_cast %swap3A_143 : vector<16xf32> to vector<16xf32>
    %swap3A_145 = vector.shape_cast %div3A_141 : vector<16xf32> to vector<16xf32>
    tpu.vector_store %arg6[%swap3A_142], %swap3A_145 {strides = array<i32>} : memref<1024xf32, #tpu.memory_space<vmem>>, vector<16xf32>,
    %get3A_146 = arith.constant 96 : index
    %get3A_147 = tpu.vector_load %arg6[%get3A_146] {strides = array<i32>} : memref<1024xf32, #tpu.memory_space<vmem>>, vector<16xf32>,
    %get3A_148 = vector.shape_cast %get3A_147 : vector<16xf32> to vector<16xf32>
    %get3A_149 = arith.constant 352 : index
    %get3A_150 = tpu.vector_load %arg6[%get3A_149] {strides = array<i32>} : memref<1024xf32, #tpu.memory_space<vmem>>, vector<16xf32>,
    %get3A_151 = vector.shape_cast %get3A_150 : vector<16xf32> to vector<16xf32>
    %sub3A_152 = arith.subf %get3A_151, %get3A_148 : vector<16xf32>
    %mul3A_153 = arith.constant 0.00575646292 : f32
    %mul3A_154 = vector.broadcast %mul3A_153 : f32 to vector<16xf32>
    %mul3A_155 = arith.mulf %sub3A_152, %mul3A_154 : vector<16xf32>
    %exp3A_156 = math.exp %mul3A_155 : vector<16xf32>
    %add3A_157 = arith.constant 1.000000e+00 : f32
    %add3A_158 = vector.broadcast %add3A_157 : f32 to vector<16xf32>
    %add3A_159 = arith.addf %add3A_158, %exp3A_156 : vector<16xf32>
    %div3A_160 = arith.constant 1.000000e+00 : f32
    %div3A_161 = vector.broadcast %div3A_160 : f32 to vector<16xf32>
    %div3A_162 = arith.divf %div3A_161, %add3A_159 : vector<16xf32>
    %swap3A_163 = arith.constant 96 : index
    %swap3A_164 = tpu.vector_load %arg6[%swap3A_163] {strides = array<i32>} : memref<1024xf32, #tpu.memory_space<vmem>>, vector<16xf32>,
    %swap3A_165 = vector.shape_cast %swap3A_164 : vector<16xf32> to vector<16xf32>
    %swap3A_166 = vector.shape_cast %div3A_162 : vector<16xf32> to vector<16xf32>
    tpu.vector_store %arg6[%swap3A_163], %swap3A_166 {strides = array<i32>} : memref<1024xf32, #tpu.memory_space<vmem>>, vector<16xf32>,
    %get3A_167 = arith.constant 112 : index
    %get3A_168 = tpu.vector_load %arg6[%get3A_167] {strides = array<i32>} : memref<1024xf32, #tpu.memory_space<vmem>>, vector<16xf32>,
    %get3A_169 = vector.shape_cast %get3A_168 : vector<16xf32> to vector<16xf32>
    %get3A_170 = arith.constant 368 : index
    %get3A_171 = tpu.vector_load %arg6[%get3A_170] {strides = array<i32>} : memref<1024xf32, #tpu.memory_space<vmem>>, vector<16xf32>,
    %get3A_172 = vector.shape_cast %get3A_171 : vector<16xf32> to vector<16xf32>
    %sub3A_173 = arith.subf %get3A_172, %get3A_169 : vector<16xf32>
    %mul3A_174 = arith.constant 0.00575646292 : f32
    %mul3A_175 = vector.broadcast %mul3A_174 : f32 to vector<16xf32>
    %mul3A_176 = arith.mulf %sub3A_173, %mul3A_175 : vector<16xf32>
    %exp3A_177 = math.exp %mul3A_176 : vector<16xf32>
    %add3A_178 = arith.constant 1.000000e+00 : f32
    %add3A_179 = vector.broadcast %add3A_178 : f32 to vector<16xf32>
    %add3A_180 = arith.addf %add3A_179, %exp3A_177 : vector<16xf32>
    %div3A_181 = arith.constant 1.000000e+00 : f32
    %div3A_182 = vector.broadcast %div3A_181 : f32 to vector<16xf32>
    %div3A_183 = arith.divf %div3A_182, %add3A_180 : vector<16xf32>
    %swap3A_184 = arith.constant 112 : index
    %swap3A_185 = tpu.vector_load %arg6[%swap3A_184] {strides = array<i32>} : memref<1024xf32, #tpu.memory_space<vmem>>, vector<16xf32>,
    %swap3A_186 = vector.shape_cast %swap3A_185 : vector<16xf32> to vector<16xf32>
    %swap3A_187 = vector.shape_cast %div3A_183 : vector<16xf32> to vector<16xf32>
    tpu.vector_store %arg6[%swap3A_184], %swap3A_187 {strides = array<i32>} : memref<1024xf32, #tpu.memory_space<vmem>>, vector<16xf32>,
    %get3A_188 = arith.constant 128 : index
    %get3A_189 = tpu.vector_load %arg6[%get3A_188] {strides = array<i32>} : memref<1024xf32, #tpu.memory_space<vmem>>, vector<16xf32>,
    %get3A_190 = vector.shape_cast %get3A_189 : vector<16xf32> to vector<16xf32>
    %get3A_191 = arith.constant 384 : index
    %get3A_192 = tpu.vector_load %arg6[%get3A_191] {strides = array<i32>} : memref<1024xf32, #tpu.memory_space<vmem>>, vector<16xf32>,
    %get3A_193 = vector.shape_cast %get3A_192 : vector<16xf32> to vector<16xf32>
    %sub3A_194 = arith.subf %get3A_193, %get3A_190 : vector<16xf32>
    %mul3A_195 = arith.constant 0.00575646292 : f32
    %mul3A_196 = vector.broadcast %mul3A_195 : f32 to vector<16xf32>
    %mul3A_197 = arith.mulf %sub3A_194, %mul3A_196 : vector<16xf32>
    %exp3A_198 = math.exp %mul3A_197 : vector<16xf32>
    %add3A_199 = arith.constant 1.000000e+00 : f32
    %add3A_200 = vector.broadcast %add3A_199 : f32 to vector<16xf32>
    %add3A_201 = arith.addf %add3A_200, %exp3A_198 : vector<16xf32>
    %div3A_202 = arith.constant 1.000000e+00 : f32
    %div3A_203 = vector.broadcast %div3A_202 : f32 to vector<16xf32>
    %div3A_204 = arith.divf %div3A_203, %add3A_201 : vector<16xf32>
    %swap3A_205 = arith.constant 128 : index
    %swap3A_206 = tpu.vector_load %arg6[%swap3A_205] {strides = array<i32>} : memref<1024xf32, #tpu.memory_space<vmem>>, vector<16xf32>,
    %swap3A_207 = vector.shape_cast %swap3A_206 : vector<16xf32> to vector<16xf32>
    %swap3A_208 = vector.shape_cast %div3A_204 : vector<16xf32> to vector<16xf32>
    tpu.vector_store %arg6[%swap3A_205], %swap3A_208 {strides = array<i32>} : memref<1024xf32, #tpu.memory_space<vmem>>, vector<16xf32>,
    %get3A_209 = arith.constant 144 : index
    %get3A_210 = tpu.vector_load %arg6[%get3A_209] {strides = array<i32>} : memref<1024xf32, #tpu.memory_space<vmem>>, vector<16xf32>,
    %get3A_211 = vector.shape_cast %get3A_210 : vector<16xf32> to vector<16xf32>
    %get3A_212 = arith.constant 400 : index
    %get3A_213 = tpu.vector_load %arg6[%get3A_212] {strides = array<i32>} : memref<1024xf32, #tpu.memory_space<vmem>>, vector<16xf32>,
    %get3A_214 = vector.shape_cast %get3A_213 : vector<16xf32> to vector<16xf32>
    %sub3A_215 = arith.subf %get3A_214, %get3A_211 : vector<16xf32>
    %mul3A_216 = arith.constant 0.00575646292 : f32
    %mul3A_217 = vector.broadcast %mul3A_216 : f32 to vector<16xf32>
    %mul3A_218 = arith.mulf %sub3A_215, %mul3A_217 : vector<16xf32>
    %exp3A_219 = math.exp %mul3A_218 : vector<16xf32>
    %add3A_220 = arith.constant 1.000000e+00 : f32
    %add3A_221 = vector.broadcast %add3A_220 : f32 to vector<16xf32>
    %add3A_222 = arith.addf %add3A_221, %exp3A_219 : vector<16xf32>
    %div3A_223 = arith.constant 1.000000e+00 : f32
    %div3A_224 = vector.broadcast %div3A_223 : f32 to vector<16xf32>
    %div3A_225 = arith.divf %div3A_224, %add3A_222 : vector<16xf32>
    %swap3A_226 = arith.constant 144 : index
    %swap3A_227 = tpu.vector_load %arg6[%swap3A_226] {strides = array<i32>} : memref<1024xf32, #tpu.memory_space<vmem>>, vector<16xf32>,
    %swap3A_228 = vector.shape_cast %swap3A_227 : vector<16xf32> to vector<16xf32>
    %swap3A_229 = vector.shape_cast %div3A_225 : vector<16xf32> to vector<16xf32>
    tpu.vector_store %arg6[%swap3A_226], %swap3A_229 {strides = array<i32>} : memref<1024xf32, #tpu.memory_space<vmem>>, vector<16xf32>,
    %get3A_230 = arith.constant 160 : index
    %get3A_231 = tpu.vector_load %arg6[%get3A_230] {strides = array<i32>} : memref<1024xf32, #tpu.memory_space<vmem>>, vector<16xf32>,
    %get3A_232 = vector.shape_cast %get3A_231 : vector<16xf32> to vector<16xf32>
    %get3A_233 = arith.constant 416 : index
    %get3A_234 = tpu.vector_load %arg6[%get3A_233] {strides = array<i32>} : memref<1024xf32, #tpu.memory_space<vmem>>, vector<16xf32>,
    %get3A_235 = vector.shape_cast %get3A_234 : vector<16xf32> to vector<16xf32>
    %sub3A_236 = arith.subf %get3A_235, %get3A_232 : vector<16xf32>
    %mul3A_237 = arith.constant 0.00575646292 : f32
    %mul3A_238 = vector.broadcast %mul3A_237 : f32 to vector<16xf32>
    %mul3A_239 = arith.mulf %sub3A_236, %mul3A_238 : vector<16xf32>
    %exp3A_240 = math.exp %mul3A_239 : vector<16xf32>
    %add3A_241 = arith.constant 1.000000e+00 : f32
    %add3A_242 = vector.broadcast %add3A_241 : f32 to vector<16xf32>
    %add3A_243 = arith.addf %add3A_242, %exp3A_240 : vector<16xf32>
    %div3A_244 = arith.constant 1.000000e+00 : f32
    %div3A_245 = vector.broadcast %div3A_244 : f32 to vector<16xf32>
    %div3A_246 = arith.divf %div3A_245, %add3A_243 : vector<16xf32>
    %swap3A_247 = arith.constant 160 : index
    %swap3A_248 = tpu.vector_load %arg6[%swap3A_247] {strides = array<i32>} : memref<1024xf32, #tpu.memory_space<vmem>>, vector<16xf32>,
    %swap3A_249 = vector.shape_cast %swap3A_248 : vector<16xf32> to vector<16xf32>
    %swap3A_250 = vector.shape_cast %div3A_246 : vector<16xf32> to vector<16xf32>
    tpu.vector_store %arg6[%swap3A_247], %swap3A_250 {strides = array<i32>} : memref<1024xf32, #tpu.memory_space<vmem>>, vector<16xf32>,
    %get3A_251 = arith.constant 176 : index
    %get3A_252 = tpu.vector_load %arg6[%get3A_251] {strides = array<i32>} : memref<1024xf32, #tpu.memory_space<vmem>>, vector<16xf32>,
    %get3A_253 = vector.shape_cast %get3A_252 : vector<16xf32> to vector<16xf32>
    %get3A_254 = arith.constant 432 : index
    %get3A_255 = tpu.vector_load %arg6[%get3A_254] {strides = array<i32>} : memref<1024xf32, #tpu.memory_space<vmem>>, vector<16xf32>,
    %get3A_256 = vector.shape_cast %get3A_255 : vector<16xf32> to vector<16xf32>
    %sub3A_257 = arith.subf %get3A_256, %get3A_253 : vector<16xf32>
    %mul3A_258 = arith.constant 0.00575646292 : f32
    %mul3A_259 = vector.broadcast %mul3A_258 : f32 to vector<16xf32>
    %mul3A_260 = arith.mulf %sub3A_257, %mul3A_259 : vector<16xf32>
    %exp3A_261 = math.exp %mul3A_260 : vector<16xf32>
    %add3A_262 = arith.constant 1.000000e+00 : f32
    %add3A_263 = vector.broadcast %add3A_262 : f32 to vector<16xf32>
    %add3A_264 = arith.addf %add3A_263, %exp3A_261 : vector<16xf32>
    %div3A_265 = arith.constant 1.000000e+00 : f32
    %div3A_266 = vector.broadcast %div3A_265 : f32 to vector<16xf32>
    %div3A_267 = arith.divf %div3A_266, %add3A_264 : vector<16xf32>
    %swap3A_268 = arith.constant 176 : index
    %swap3A_269 = tpu.vector_load %arg6[%swap3A_268] {strides = array<i32>} : memref<1024xf32, #tpu.memory_space<vmem>>, vector<16xf32>,
    %swap3A_270 = vector.shape_cast %swap3A_269 : vector<16xf32> to vector<16xf32>
    %swap3A_271 = vector.shape_cast %div3A_267 : vector<16xf32> to vector<16xf32>
    tpu.vector_store %arg6[%swap3A_268], %swap3A_271 {strides = array<i32>} : memref<1024xf32, #tpu.memory_space<vmem>>, vector<16xf32>,
    %get3A_272 = arith.constant 192 : index
    %get3A_273 = tpu.vector_load %arg6[%get3A_272] {strides = array<i32>} : memref<1024xf32, #tpu.memory_space<vmem>>, vector<16xf32>,
    %get3A_274 = vector.shape_cast %get3A_273 : vector<16xf32> to vector<16xf32>
    %get3A_275 = arith.constant 448 : index
    %get3A_276 = tpu.vector_load %arg6[%get3A_275] {strides = array<i32>} : memref<1024xf32, #tpu.memory_space<vmem>>, vector<16xf32>,
    %get3A_277 = vector.shape_cast %get3A_276 : vector<16xf32> to vector<16xf32>
    %sub3A_278 = arith.subf %get3A_277, %get3A_274 : vector<16xf32>
    %mul3A_279 = arith.constant 0.00575646292 : f32
    %mul3A_280 = vector.broadcast %mul3A_279 : f32 to vector<16xf32>
    %mul3A_281 = arith.mulf %sub3A_278, %mul3A_280 : vector<16xf32>
    %exp3A_282 = math.exp %mul3A_281 : vector<16xf32>
    %add3A_283 = arith.constant 1.000000e+00 : f32
    %add3A_284 = vector.broadcast %add3A_283 : f32 to vector<16xf32>
    %add3A_285 = arith.addf %add3A_284, %exp3A_282 : vector<16xf32>
    %div3A_286 = arith.constant 1.000000e+00 : f32
    %div3A_287 = vector.broadcast %div3A_286 : f32 to vector<16xf32>
    %div3A_288 = arith.divf %div3A_287, %add3A_285 : vector<16xf32>
    %swap3A_289 = arith.constant 192 : index
    %swap3A_290 = tpu.vector_load %arg6[%swap3A_289] {strides = array<i32>} : memref<1024xf32, #tpu.memory_space<vmem>>, vector<16xf32>,
    %swap3A_291 = vector.shape_cast %swap3A_290 : vector<16xf32> to vector<16xf32>
    %swap3A_292 = vector.shape_cast %div3A_288 : vector<16xf32> to vector<16xf32>
    tpu.vector_store %arg6[%swap3A_289], %swap3A_292 {strides = array<i32>} : memref<1024xf32, #tpu.memory_space<vmem>>, vector<16xf32>,
    %get3A_293 = arith.constant 208 : index
    %get3A_294 = tpu.vector_load %arg6[%get3A_293] {strides = array<i32>} : memref<1024xf32, #tpu.memory_space<vmem>>, vector<16xf32>,
    %get3A_295 = vector.shape_cast %get3A_294 : vector<16xf32> to vector<16xf32>
    %get3A_296 = arith.constant 464 : index
    %get3A_297 = tpu.vector_load %arg6[%get3A_296] {strides = array<i32>} : memref<1024xf32, #tpu.memory_space<vmem>>, vector<16xf32>,
    %get3A_298 = vector.shape_cast %get3A_297 : vector<16xf32> to vector<16xf32>
    %sub3A_299 = arith.subf %get3A_298, %get3A_295 : vector<16xf32>
    %mul3A_300 = arith.constant 0.00575646292 : f32
    %mul3A_301 = vector.broadcast %mul3A_300 : f32 to vector<16xf32>
    %mul3A_302 = arith.mulf %sub3A_299, %mul3A_301 : vector<16xf32>
    %exp3A_303 = math.exp %mul3A_302 : vector<16xf32>
    %add3A_304 = arith.constant 1.000000e+00 : f32
    %add3A_305 = vector.broadcast %add3A_304 : f32 to vector<16xf32>
    %add3A_306 = arith.addf %add3A_305, %exp3A_303 : vector<16xf32>
    %div3A_307 = arith.constant 1.000000e+00 : f32
    %div3A_308 = vector.broadcast %div3A_307 : f32 to vector<16xf32>
    %div3A_309 = arith.divf %div3A_308, %add3A_306 : vector<16xf32>
    %swap3A_310 = arith.constant 208 : index
    %swap3A_311 = tpu.vector_load %arg6[%swap3A_310] {strides = array<i32>} : memref<1024xf32, #tpu.memory_space<vmem>>, vector<16xf32>,
    %swap3A_312 = vector.shape_cast %swap3A_311 : vector<16xf32> to vector<16xf32>
    %swap3A_313 = vector.shape_cast %div3A_309 : vector<16xf32> to vector<16xf32>
    tpu.vector_store %arg6[%swap3A_310], %swap3A_313 {strides = array<i32>} : memref<1024xf32, #tpu.memory_space<vmem>>, vector<16xf32>,
    %get3A_314 = arith.constant 224 : index
    %get3A_315 = tpu.vector_load %arg6[%get3A_314] {strides = array<i32>} : memref<1024xf32, #tpu.memory_space<vmem>>, vector<16xf32>,
    %get3A_316 = vector.shape_cast %get3A_315 : vector<16xf32> to vector<16xf32>
    %get3A_317 = arith.constant 480 : index
    %get3A_318 = tpu.vector_load %arg6[%get3A_317] {strides = array<i32>} : memref<1024xf32, #tpu.memory_space<vmem>>, vector<16xf32>,
    %get3A_319 = vector.shape_cast %get3A_318 : vector<16xf32> to vector<16xf32>
    %sub3A_320 = arith.subf %get3A_319, %get3A_316 : vector<16xf32>
    %mul3A_321 = arith.constant 0.00575646292 : f32
    %mul3A_322 = vector.broadcast %mul3A_321 : f32 to vector<16xf32>
    %mul3A_323 = arith.mulf %sub3A_320, %mul3A_322 : vector<16xf32>
    %exp3A_324 = math.exp %mul3A_323 : vector<16xf32>
    %add3A_325 = arith.constant 1.000000e+00 : f32
    %add3A_326 = vector.broadcast %add3A_325 : f32 to vector<16xf32>
    %add3A_327 = arith.addf %add3A_326, %exp3A_324 : vector<16xf32>
    %div3A_328 = arith.constant 1.000000e+00 : f32
    %div3A_329 = vector.broadcast %div3A_328 : f32 to vector<16xf32>
    %div3A_330 = arith.divf %div3A_329, %add3A_327 : vector<16xf32>
    %swap3A_331 = arith.constant 224 : index
    %swap3A_332 = tpu.vector_load %arg6[%swap3A_331] {strides = array<i32>} : memref<1024xf32, #tpu.memory_space<vmem>>, vector<16xf32>,
    %swap3A_333 = vector.shape_cast %swap3A_332 : vector<16xf32> to vector<16xf32>
    %swap3A_334 = vector.shape_cast %div3A_330 : vector<16xf32> to vector<16xf32>
    tpu.vector_store %arg6[%swap3A_331], %swap3A_334 {strides = array<i32>} : memref<1024xf32, #tpu.memory_space<vmem>>, vector<16xf32>,
    %get3A_335 = arith.constant 240 : index
    %get3A_336 = tpu.vector_load %arg6[%get3A_335] {strides = array<i32>} : memref<1024xf32, #tpu.memory_space<vmem>>, vector<16xf32>,
    %get3A_337 = vector.shape_cast %get3A_336 : vector<16xf32> to vector<16xf32>
    %get3A_338 = arith.constant 496 : index
    %get3A_339 = tpu.vector_load %arg6[%get3A_338] {strides = array<i32>} : memref<1024xf32, #tpu.memory_space<vmem>>, vector<16xf32>,
    %get3A_340 = vector.shape_cast %get3A_339 : vector<16xf32> to vector<16xf32>
    %sub3A_341 = arith.subf %get3A_340, %get3A_337 : vector<16xf32>
    %mul3A_342 = arith.constant 0.00575646292 : f32
    %mul3A_343 = vector.broadcast %mul3A_342 : f32 to vector<16xf32>
    %mul3A_344 = arith.mulf %sub3A_341, %mul3A_343 : vector<16xf32>
    %exp3A_345 = math.exp %mul3A_344 : vector<16xf32>
    %add3A_346 = arith.constant 1.000000e+00 : f32
    %add3A_347 = vector.broadcast %add3A_346 : f32 to vector<16xf32>
    %add3A_348 = arith.addf %add3A_347, %exp3A_345 : vector<16xf32>
    %div3A_349 = arith.constant 1.000000e+00 : f32
    %div3A_350 = vector.broadcast %div3A_349 : f32 to vector<16xf32>
    %div3A_351 = arith.divf %div3A_350, %add3A_348 : vector<16xf32>
    %swap3A_352 = arith.constant 240 : index
    %swap3A_353 = tpu.vector_load %arg6[%swap3A_352] {strides = array<i32>} : memref<1024xf32, #tpu.memory_space<vmem>>, vector<16xf32>,
    %swap3A_354 = vector.shape_cast %swap3A_353 : vector<16xf32> to vector<16xf32>
    %swap3A_355 = vector.shape_cast %div3A_351 : vector<16xf32> to vector<16xf32>
    tpu.vector_store %arg6[%swap3A_352], %swap3A_355 {strides = array<i32>} : memref<1024xf32, #tpu.memory_space<vmem>>, vector<16xf32>,
    %add3A_356 = arith.constant 0 : i32
    %add3A_357 = arith.addi %mul3A_2, %add3A_356 : i32
    %dma_start3A_358 = arith.constant 0 : i32
    %dma_start3A_359 = tpu.memref_slice %arg6[%dma_start3A_358] : memref<1024xf32, #tpu.memory_space<vmem>> -> memref<256xf32, #tpu.memory_space<vmem>>
    %dma_start3A_360 = tpu.memref_slice %arg4[%add3A_357] : memref<16384xf32, #tpu.memory_space<hbm>> -> memref<256xf32, #tpu.memory_space<hbm>>
    %dma_start3A_361 = tpu.memref_slice %arg4[%add3A_357] : memref<16384xf32, #tpu.memory_space<hbm>> -> memref<256xf32, #tpu.memory_space<hbm>>
    %dma_start3A_362 = arith.constant 0 : i32
    %dma_start3A_363 = tpu.memref_slice %arg6[%dma_start3A_362] : memref<1024xf32, #tpu.memory_space<vmem>> -> memref<256xf32, #tpu.memory_space<vmem>>
    tpu.enqueue_dma source(%dma_start3A_363 : memref<256xf32, #tpu.memory_space<vmem>>) target(%dma_start3A_361 : memref<256xf32, #tpu.memory_space<hbm>>) target_semaphore(%arg9 : memref<!tpu.dma_semaphore, #tpu.memory_space<semaphore_mem>>)
    %dma_wait3A_364 = arith.constant 512 : i32
    %dma_wait3A_365 = tpu.memref_slice %arg6[%dma_wait3A_364] : memref<1024xf32, #tpu.memory_space<vmem>> -> memref<512xf32, #tpu.memory_space<vmem>>
    %dma_wait3A_366 = arith.constant 512 : i32
    %dma_wait3A_367 = tpu.memref_slice %arg5[%dma_wait3A_366] : memref<1024xi32, #tpu.memory_space<vmem>> -> memref<512xi32, #tpu.memory_space<vmem>>
    %dma_wait3A_368 = arith.constant 0 : i32
    %dma_wait3A_369 = tpu.memref_slice %arg3[%dma_wait3A_368] : memref<1000000xf32, #tpu.memory_space<hbm>> -> memref<1000000xf32, #tpu.memory_space<hbm>>
    tpu.wait_indirect_dma semaphore(%arg7 : memref<!tpu.dma_semaphore, #tpu.memory_space<semaphore_mem>>) src(%dma_wait3A_369 : memref<1000000xf32, #tpu.memory_space<hbm>>) dst(%dma_wait3A_365 : memref<512xf32, #tpu.memory_space<vmem>>)
    %get3A_370 = arith.constant 512 : index
    %get3A_371 = tpu.vector_load %arg6[%get3A_370] {strides = array<i32>} : memref<1024xf32, #tpu.memory_space<vmem>>, vector<16xf32>,
    %get3A_372 = vector.shape_cast %get3A_371 : vector<16xf32> to vector<16xf32>
    %get3A_373 = arith.constant 768 : index
    %get3A_374 = tpu.vector_load %arg6[%get3A_373] {strides = array<i32>} : memref<1024xf32, #tpu.memory_space<vmem>>, vector<16xf32>,
    %get3A_375 = vector.shape_cast %get3A_374 : vector<16xf32> to vector<16xf32>
    %sub3A_376 = arith.subf %get3A_375, %get3A_372 : vector<16xf32>
    %mul3A_377 = arith.constant 0.00575646292 : f32
    %mul3A_378 = vector.broadcast %mul3A_377 : f32 to vector<16xf32>
    %mul3A_379 = arith.mulf %sub3A_376, %mul3A_378 : vector<16xf32>
    %exp3A_380 = math.exp %mul3A_379 : vector<16xf32>
    %add3A_381 = arith.constant 1.000000e+00 : f32
    %add3A_382 = vector.broadcast %add3A_381 : f32 to vector<16xf32>
    %add3A_383 = arith.addf %add3A_382, %exp3A_380 : vector<16xf32>
    %div3A_384 = arith.constant 1.000000e+00 : f32
    %div3A_385 = vector.broadcast %div3A_384 : f32 to vector<16xf32>
    %div3A_386 = arith.divf %div3A_385, %add3A_383 : vector<16xf32>
    %swap3A_387 = arith.constant 512 : index
    %swap3A_388 = tpu.vector_load %arg6[%swap3A_387] {strides = array<i32>} : memref<1024xf32, #tpu.memory_space<vmem>>, vector<16xf32>,
    %swap3A_389 = vector.shape_cast %swap3A_388 : vector<16xf32> to vector<16xf32>
    %swap3A_390 = vector.shape_cast %div3A_386 : vector<16xf32> to vector<16xf32>
    tpu.vector_store %arg6[%swap3A_387], %swap3A_390 {strides = array<i32>} : memref<1024xf32, #tpu.memory_space<vmem>>, vector<16xf32>,
    %get3A_391 = arith.constant 528 : index
    %get3A_392 = tpu.vector_load %arg6[%get3A_391] {strides = array<i32>} : memref<1024xf32, #tpu.memory_space<vmem>>, vector<16xf32>,
    %get3A_393 = vector.shape_cast %get3A_392 : vector<16xf32> to vector<16xf32>
    %get3A_394 = arith.constant 784 : index
    %get3A_395 = tpu.vector_load %arg6[%get3A_394] {strides = array<i32>} : memref<1024xf32, #tpu.memory_space<vmem>>, vector<16xf32>,
    %get3A_396 = vector.shape_cast %get3A_395 : vector<16xf32> to vector<16xf32>
    %sub3A_397 = arith.subf %get3A_396, %get3A_393 : vector<16xf32>
    %mul3A_398 = arith.constant 0.00575646292 : f32
    %mul3A_399 = vector.broadcast %mul3A_398 : f32 to vector<16xf32>
    %mul3A_400 = arith.mulf %sub3A_397, %mul3A_399 : vector<16xf32>
    %exp3A_401 = math.exp %mul3A_400 : vector<16xf32>
    %add3A_402 = arith.constant 1.000000e+00 : f32
    %add3A_403 = vector.broadcast %add3A_402 : f32 to vector<16xf32>
    %add3A_404 = arith.addf %add3A_403, %exp3A_401 : vector<16xf32>
    %div3A_405 = arith.constant 1.000000e+00 : f32
    %div3A_406 = vector.broadcast %div3A_405 : f32 to vector<16xf32>
    %div3A_407 = arith.divf %div3A_406, %add3A_404 : vector<16xf32>
    %swap3A_408 = arith.constant 528 : index
    %swap3A_409 = tpu.vector_load %arg6[%swap3A_408] {strides = array<i32>} : memref<1024xf32, #tpu.memory_space<vmem>>, vector<16xf32>,
    %swap3A_410 = vector.shape_cast %swap3A_409 : vector<16xf32> to vector<16xf32>
    %swap3A_411 = vector.shape_cast %div3A_407 : vector<16xf32> to vector<16xf32>
    tpu.vector_store %arg6[%swap3A_408], %swap3A_411 {strides = array<i32>} : memref<1024xf32, #tpu.memory_space<vmem>>, vector<16xf32>,
    %get3A_412 = arith.constant 544 : index
    %get3A_413 = tpu.vector_load %arg6[%get3A_412] {strides = array<i32>} : memref<1024xf32, #tpu.memory_space<vmem>>, vector<16xf32>,
    %get3A_414 = vector.shape_cast %get3A_413 : vector<16xf32> to vector<16xf32>
    %get3A_415 = arith.constant 800 : index
    %get3A_416 = tpu.vector_load %arg6[%get3A_415] {strides = array<i32>} : memref<1024xf32, #tpu.memory_space<vmem>>, vector<16xf32>,
    %get3A_417 = vector.shape_cast %get3A_416 : vector<16xf32> to vector<16xf32>
    %sub3A_418 = arith.subf %get3A_417, %get3A_414 : vector<16xf32>
    %mul3A_419 = arith.constant 0.00575646292 : f32
    %mul3A_420 = vector.broadcast %mul3A_419 : f32 to vector<16xf32>
    %mul3A_421 = arith.mulf %sub3A_418, %mul3A_420 : vector<16xf32>
    %exp3A_422 = math.exp %mul3A_421 : vector<16xf32>
    %add3A_423 = arith.constant 1.000000e+00 : f32
    %add3A_424 = vector.broadcast %add3A_423 : f32 to vector<16xf32>
    %add3A_425 = arith.addf %add3A_424, %exp3A_422 : vector<16xf32>
    %div3A_426 = arith.constant 1.000000e+00 : f32
    %div3A_427 = vector.broadcast %div3A_426 : f32 to vector<16xf32>
    %div3A_428 = arith.divf %div3A_427, %add3A_425 : vector<16xf32>
    %swap3A_429 = arith.constant 544 : index
    %swap3A_430 = tpu.vector_load %arg6[%swap3A_429] {strides = array<i32>} : memref<1024xf32, #tpu.memory_space<vmem>>, vector<16xf32>,
    %swap3A_431 = vector.shape_cast %swap3A_430 : vector<16xf32> to vector<16xf32>
    %swap3A_432 = vector.shape_cast %div3A_428 : vector<16xf32> to vector<16xf32>
    tpu.vector_store %arg6[%swap3A_429], %swap3A_432 {strides = array<i32>} : memref<1024xf32, #tpu.memory_space<vmem>>, vector<16xf32>,
    %get3A_433 = arith.constant 560 : index
    %get3A_434 = tpu.vector_load %arg6[%get3A_433] {strides = array<i32>} : memref<1024xf32, #tpu.memory_space<vmem>>, vector<16xf32>,
    %get3A_435 = vector.shape_cast %get3A_434 : vector<16xf32> to vector<16xf32>
    %get3A_436 = arith.constant 816 : index
    %get3A_437 = tpu.vector_load %arg6[%get3A_436] {strides = array<i32>} : memref<1024xf32, #tpu.memory_space<vmem>>, vector<16xf32>,
    %get3A_438 = vector.shape_cast %get3A_437 : vector<16xf32> to vector<16xf32>
    %sub3A_439 = arith.subf %get3A_438, %get3A_435 : vector<16xf32>
    %mul3A_440 = arith.constant 0.00575646292 : f32
    %mul3A_441 = vector.broadcast %mul3A_440 : f32 to vector<16xf32>
    %mul3A_442 = arith.mulf %sub3A_439, %mul3A_441 : vector<16xf32>
    %exp3A_443 = math.exp %mul3A_442 : vector<16xf32>
    %add3A_444 = arith.constant 1.000000e+00 : f32
    %add3A_445 = vector.broadcast %add3A_444 : f32 to vector<16xf32>
    %add3A_446 = arith.addf %add3A_445, %exp3A_443 : vector<16xf32>
    %div3A_447 = arith.constant 1.000000e+00 : f32
    %div3A_448 = vector.broadcast %div3A_447 : f32 to vector<16xf32>
    %div3A_449 = arith.divf %div3A_448, %add3A_446 : vector<16xf32>
    %swap3A_450 = arith.constant 560 : index
    %swap3A_451 = tpu.vector_load %arg6[%swap3A_450] {strides = array<i32>} : memref<1024xf32, #tpu.memory_space<vmem>>, vector<16xf32>,
    %swap3A_452 = vector.shape_cast %swap3A_451 : vector<16xf32> to vector<16xf32>
    %swap3A_453 = vector.shape_cast %div3A_449 : vector<16xf32> to vector<16xf32>
    tpu.vector_store %arg6[%swap3A_450], %swap3A_453 {strides = array<i32>} : memref<1024xf32, #tpu.memory_space<vmem>>, vector<16xf32>,
    %get3A_454 = arith.constant 576 : index
    %get3A_455 = tpu.vector_load %arg6[%get3A_454] {strides = array<i32>} : memref<1024xf32, #tpu.memory_space<vmem>>, vector<16xf32>,
    %get3A_456 = vector.shape_cast %get3A_455 : vector<16xf32> to vector<16xf32>
    %get3A_457 = arith.constant 832 : index
    %get3A_458 = tpu.vector_load %arg6[%get3A_457] {strides = array<i32>} : memref<1024xf32, #tpu.memory_space<vmem>>, vector<16xf32>,
    %get3A_459 = vector.shape_cast %get3A_458 : vector<16xf32> to vector<16xf32>
    %sub3A_460 = arith.subf %get3A_459, %get3A_456 : vector<16xf32>
    %mul3A_461 = arith.constant 0.00575646292 : f32
    %mul3A_462 = vector.broadcast %mul3A_461 : f32 to vector<16xf32>
    %mul3A_463 = arith.mulf %sub3A_460, %mul3A_462 : vector<16xf32>
    %exp3A_464 = math.exp %mul3A_463 : vector<16xf32>
    %add3A_465 = arith.constant 1.000000e+00 : f32
    %add3A_466 = vector.broadcast %add3A_465 : f32 to vector<16xf32>
    %add3A_467 = arith.addf %add3A_466, %exp3A_464 : vector<16xf32>
    %div3A_468 = arith.constant 1.000000e+00 : f32
    %div3A_469 = vector.broadcast %div3A_468 : f32 to vector<16xf32>
    %div3A_470 = arith.divf %div3A_469, %add3A_467 : vector<16xf32>
    %swap3A_471 = arith.constant 576 : index
    %swap3A_472 = tpu.vector_load %arg6[%swap3A_471] {strides = array<i32>} : memref<1024xf32, #tpu.memory_space<vmem>>, vector<16xf32>,
    %swap3A_473 = vector.shape_cast %swap3A_472 : vector<16xf32> to vector<16xf32>
    %swap3A_474 = vector.shape_cast %div3A_470 : vector<16xf32> to vector<16xf32>
    tpu.vector_store %arg6[%swap3A_471], %swap3A_474 {strides = array<i32>} : memref<1024xf32, #tpu.memory_space<vmem>>, vector<16xf32>,
    %get3A_475 = arith.constant 592 : index
    %get3A_476 = tpu.vector_load %arg6[%get3A_475] {strides = array<i32>} : memref<1024xf32, #tpu.memory_space<vmem>>, vector<16xf32>,
    %get3A_477 = vector.shape_cast %get3A_476 : vector<16xf32> to vector<16xf32>
    %get3A_478 = arith.constant 848 : index
    %get3A_479 = tpu.vector_load %arg6[%get3A_478] {strides = array<i32>} : memref<1024xf32, #tpu.memory_space<vmem>>, vector<16xf32>,
    %get3A_480 = vector.shape_cast %get3A_479 : vector<16xf32> to vector<16xf32>
    %sub3A_481 = arith.subf %get3A_480, %get3A_477 : vector<16xf32>
    %mul3A_482 = arith.constant 0.00575646292 : f32
    %mul3A_483 = vector.broadcast %mul3A_482 : f32 to vector<16xf32>
    %mul3A_484 = arith.mulf %sub3A_481, %mul3A_483 : vector<16xf32>
    %exp3A_485 = math.exp %mul3A_484 : vector<16xf32>
    %add3A_486 = arith.constant 1.000000e+00 : f32
    %add3A_487 = vector.broadcast %add3A_486 : f32 to vector<16xf32>
    %add3A_488 = arith.addf %add3A_487, %exp3A_485 : vector<16xf32>
    %div3A_489 = arith.constant 1.000000e+00 : f32
    %div3A_490 = vector.broadcast %div3A_489 : f32 to vector<16xf32>
    %div3A_491 = arith.divf %div3A_490, %add3A_488 : vector<16xf32>
    %swap3A_492 = arith.constant 592 : index
    %swap3A_493 = tpu.vector_load %arg6[%swap3A_492] {strides = array<i32>} : memref<1024xf32, #tpu.memory_space<vmem>>, vector<16xf32>,
    %swap3A_494 = vector.shape_cast %swap3A_493 : vector<16xf32> to vector<16xf32>
    %swap3A_495 = vector.shape_cast %div3A_491 : vector<16xf32> to vector<16xf32>
    tpu.vector_store %arg6[%swap3A_492], %swap3A_495 {strides = array<i32>} : memref<1024xf32, #tpu.memory_space<vmem>>, vector<16xf32>,
    %get3A_496 = arith.constant 608 : index
    %get3A_497 = tpu.vector_load %arg6[%get3A_496] {strides = array<i32>} : memref<1024xf32, #tpu.memory_space<vmem>>, vector<16xf32>,
    %get3A_498 = vector.shape_cast %get3A_497 : vector<16xf32> to vector<16xf32>
    %get3A_499 = arith.constant 864 : index
    %get3A_500 = tpu.vector_load %arg6[%get3A_499] {strides = array<i32>} : memref<1024xf32, #tpu.memory_space<vmem>>, vector<16xf32>,
    %get3A_501 = vector.shape_cast %get3A_500 : vector<16xf32> to vector<16xf32>
    %sub3A_502 = arith.subf %get3A_501, %get3A_498 : vector<16xf32>
    %mul3A_503 = arith.constant 0.00575646292 : f32
    %mul3A_504 = vector.broadcast %mul3A_503 : f32 to vector<16xf32>
    %mul3A_505 = arith.mulf %sub3A_502, %mul3A_504 : vector<16xf32>
    %exp3A_506 = math.exp %mul3A_505 : vector<16xf32>
    %add3A_507 = arith.constant 1.000000e+00 : f32
    %add3A_508 = vector.broadcast %add3A_507 : f32 to vector<16xf32>
    %add3A_509 = arith.addf %add3A_508, %exp3A_506 : vector<16xf32>
    %div3A_510 = arith.constant 1.000000e+00 : f32
    %div3A_511 = vector.broadcast %div3A_510 : f32 to vector<16xf32>
    %div3A_512 = arith.divf %div3A_511, %add3A_509 : vector<16xf32>
    %swap3A_513 = arith.constant 608 : index
    %swap3A_514 = tpu.vector_load %arg6[%swap3A_513] {strides = array<i32>} : memref<1024xf32, #tpu.memory_space<vmem>>, vector<16xf32>,
    %swap3A_515 = vector.shape_cast %swap3A_514 : vector<16xf32> to vector<16xf32>
    %swap3A_516 = vector.shape_cast %div3A_512 : vector<16xf32> to vector<16xf32>
    tpu.vector_store %arg6[%swap3A_513], %swap3A_516 {strides = array<i32>} : memref<1024xf32, #tpu.memory_space<vmem>>, vector<16xf32>,
    %get3A_517 = arith.constant 624 : index
    %get3A_518 = tpu.vector_load %arg6[%get3A_517] {strides = array<i32>} : memref<1024xf32, #tpu.memory_space<vmem>>, vector<16xf32>,
    %get3A_519 = vector.shape_cast %get3A_518 : vector<16xf32> to vector<16xf32>
    %get3A_520 = arith.constant 880 : index
    %get3A_521 = tpu.vector_load %arg6[%get3A_520] {strides = array<i32>} : memref<1024xf32, #tpu.memory_space<vmem>>, vector<16xf32>,
    %get3A_522 = vector.shape_cast %get3A_521 : vector<16xf32> to vector<16xf32>
    %sub3A_523 = arith.subf %get3A_522, %get3A_519 : vector<16xf32>
    %mul3A_524 = arith.constant 0.00575646292 : f32
    %mul3A_525 = vector.broadcast %mul3A_524 : f32 to vector<16xf32>
    %mul3A_526 = arith.mulf %sub3A_523, %mul3A_525 : vector<16xf32>
    %exp3A_527 = math.exp %mul3A_526 : vector<16xf32>
    %add3A_528 = arith.constant 1.000000e+00 : f32
    %add3A_529 = vector.broadcast %add3A_528 : f32 to vector<16xf32>
    %add3A_530 = arith.addf %add3A_529, %exp3A_527 : vector<16xf32>
    %div3A_531 = arith.constant 1.000000e+00 : f32
    %div3A_532 = vector.broadcast %div3A_531 : f32 to vector<16xf32>
    %div3A_533 = arith.divf %div3A_532, %add3A_530 : vector<16xf32>
    %swap3A_534 = arith.constant 624 : index
    %swap3A_535 = tpu.vector_load %arg6[%swap3A_534] {strides = array<i32>} : memref<1024xf32, #tpu.memory_space<vmem>>, vector<16xf32>,
    %swap3A_536 = vector.shape_cast %swap3A_535 : vector<16xf32> to vector<16xf32>
    %swap3A_537 = vector.shape_cast %div3A_533 : vector<16xf32> to vector<16xf32>
    tpu.vector_store %arg6[%swap3A_534], %swap3A_537 {strides = array<i32>} : memref<1024xf32, #tpu.memory_space<vmem>>, vector<16xf32>,
    %get3A_538 = arith.constant 640 : index
    %get3A_539 = tpu.vector_load %arg6[%get3A_538] {strides = array<i32>} : memref<1024xf32, #tpu.memory_space<vmem>>, vector<16xf32>,
    %get3A_540 = vector.shape_cast %get3A_539 : vector<16xf32> to vector<16xf32>
    %get3A_541 = arith.constant 896 : index
    %get3A_542 = tpu.vector_load %arg6[%get3A_541] {strides = array<i32>} : memref<1024xf32, #tpu.memory_space<vmem>>, vector<16xf32>,
    %get3A_543 = vector.shape_cast %get3A_542 : vector<16xf32> to vector<16xf32>
    %sub3A_544 = arith.subf %get3A_543, %get3A_540 : vector<16xf32>
    %mul3A_545 = arith.constant 0.00575646292 : f32
    %mul3A_546 = vector.broadcast %mul3A_545 : f32 to vector<16xf32>
    %mul3A_547 = arith.mulf %sub3A_544, %mul3A_546 : vector<16xf32>
    %exp3A_548 = math.exp %mul3A_547 : vector<16xf32>
    %add3A_549 = arith.constant 1.000000e+00 : f32
    %add3A_550 = vector.broadcast %add3A_549 : f32 to vector<16xf32>
    %add3A_551 = arith.addf %add3A_550, %exp3A_548 : vector<16xf32>
    %div3A_552 = arith.constant 1.000000e+00 : f32
    %div3A_553 = vector.broadcast %div3A_552 : f32 to vector<16xf32>
    %div3A_554 = arith.divf %div3A_553, %add3A_551 : vector<16xf32>
    %swap3A_555 = arith.constant 640 : index
    %swap3A_556 = tpu.vector_load %arg6[%swap3A_555] {strides = array<i32>} : memref<1024xf32, #tpu.memory_space<vmem>>, vector<16xf32>,
    %swap3A_557 = vector.shape_cast %swap3A_556 : vector<16xf32> to vector<16xf32>
    %swap3A_558 = vector.shape_cast %div3A_554 : vector<16xf32> to vector<16xf32>
    tpu.vector_store %arg6[%swap3A_555], %swap3A_558 {strides = array<i32>} : memref<1024xf32, #tpu.memory_space<vmem>>, vector<16xf32>,
    %get3A_559 = arith.constant 656 : index
    %get3A_560 = tpu.vector_load %arg6[%get3A_559] {strides = array<i32>} : memref<1024xf32, #tpu.memory_space<vmem>>, vector<16xf32>,
    %get3A_561 = vector.shape_cast %get3A_560 : vector<16xf32> to vector<16xf32>
    %get3A_562 = arith.constant 912 : index
    %get3A_563 = tpu.vector_load %arg6[%get3A_562] {strides = array<i32>} : memref<1024xf32, #tpu.memory_space<vmem>>, vector<16xf32>,
    %get3A_564 = vector.shape_cast %get3A_563 : vector<16xf32> to vector<16xf32>
    %sub3A_565 = arith.subf %get3A_564, %get3A_561 : vector<16xf32>
    %mul3A_566 = arith.constant 0.00575646292 : f32
    %mul3A_567 = vector.broadcast %mul3A_566 : f32 to vector<16xf32>
    %mul3A_568 = arith.mulf %sub3A_565, %mul3A_567 : vector<16xf32>
    %exp3A_569 = math.exp %mul3A_568 : vector<16xf32>
    %add3A_570 = arith.constant 1.000000e+00 : f32
    %add3A_571 = vector.broadcast %add3A_570 : f32 to vector<16xf32>
    %add3A_572 = arith.addf %add3A_571, %exp3A_569 : vector<16xf32>
    %div3A_573 = arith.constant 1.000000e+00 : f32
    %div3A_574 = vector.broadcast %div3A_573 : f32 to vector<16xf32>
    %div3A_575 = arith.divf %div3A_574, %add3A_572 : vector<16xf32>
    %swap3A_576 = arith.constant 656 : index
    %swap3A_577 = tpu.vector_load %arg6[%swap3A_576] {strides = array<i32>} : memref<1024xf32, #tpu.memory_space<vmem>>, vector<16xf32>,
    %swap3A_578 = vector.shape_cast %swap3A_577 : vector<16xf32> to vector<16xf32>
    %swap3A_579 = vector.shape_cast %div3A_575 : vector<16xf32> to vector<16xf32>
    tpu.vector_store %arg6[%swap3A_576], %swap3A_579 {strides = array<i32>} : memref<1024xf32, #tpu.memory_space<vmem>>, vector<16xf32>,
    %get3A_580 = arith.constant 672 : index
    %get3A_581 = tpu.vector_load %arg6[%get3A_580] {strides = array<i32>} : memref<1024xf32, #tpu.memory_space<vmem>>, vector<16xf32>,
    %get3A_582 = vector.shape_cast %get3A_581 : vector<16xf32> to vector<16xf32>
    %get3A_583 = arith.constant 928 : index
    %get3A_584 = tpu.vector_load %arg6[%get3A_583] {strides = array<i32>} : memref<1024xf32, #tpu.memory_space<vmem>>, vector<16xf32>,
    %get3A_585 = vector.shape_cast %get3A_584 : vector<16xf32> to vector<16xf32>
    %sub3A_586 = arith.subf %get3A_585, %get3A_582 : vector<16xf32>
    %mul3A_587 = arith.constant 0.00575646292 : f32
    %mul3A_588 = vector.broadcast %mul3A_587 : f32 to vector<16xf32>
    %mul3A_589 = arith.mulf %sub3A_586, %mul3A_588 : vector<16xf32>
    %exp3A_590 = math.exp %mul3A_589 : vector<16xf32>
    %add3A_591 = arith.constant 1.000000e+00 : f32
    %add3A_592 = vector.broadcast %add3A_591 : f32 to vector<16xf32>
    %add3A_593 = arith.addf %add3A_592, %exp3A_590 : vector<16xf32>
    %div3A_594 = arith.constant 1.000000e+00 : f32
    %div3A_595 = vector.broadcast %div3A_594 : f32 to vector<16xf32>
    %div3A_596 = arith.divf %div3A_595, %add3A_593 : vector<16xf32>
    %swap3A_597 = arith.constant 672 : index
    %swap3A_598 = tpu.vector_load %arg6[%swap3A_597] {strides = array<i32>} : memref<1024xf32, #tpu.memory_space<vmem>>, vector<16xf32>,
    %swap3A_599 = vector.shape_cast %swap3A_598 : vector<16xf32> to vector<16xf32>
    %swap3A_600 = vector.shape_cast %div3A_596 : vector<16xf32> to vector<16xf32>
    tpu.vector_store %arg6[%swap3A_597], %swap3A_600 {strides = array<i32>} : memref<1024xf32, #tpu.memory_space<vmem>>, vector<16xf32>,
    %get3A_601 = arith.constant 688 : index
    %get3A_602 = tpu.vector_load %arg6[%get3A_601] {strides = array<i32>} : memref<1024xf32, #tpu.memory_space<vmem>>, vector<16xf32>,
    %get3A_603 = vector.shape_cast %get3A_602 : vector<16xf32> to vector<16xf32>
    %get3A_604 = arith.constant 944 : index
    %get3A_605 = tpu.vector_load %arg6[%get3A_604] {strides = array<i32>} : memref<1024xf32, #tpu.memory_space<vmem>>, vector<16xf32>,
    %get3A_606 = vector.shape_cast %get3A_605 : vector<16xf32> to vector<16xf32>
    %sub3A_607 = arith.subf %get3A_606, %get3A_603 : vector<16xf32>
    %mul3A_608 = arith.constant 0.00575646292 : f32
    %mul3A_609 = vector.broadcast %mul3A_608 : f32 to vector<16xf32>
    %mul3A_610 = arith.mulf %sub3A_607, %mul3A_609 : vector<16xf32>
    %exp3A_611 = math.exp %mul3A_610 : vector<16xf32>
    %add3A_612 = arith.constant 1.000000e+00 : f32
    %add3A_613 = vector.broadcast %add3A_612 : f32 to vector<16xf32>
    %add3A_614 = arith.addf %add3A_613, %exp3A_611 : vector<16xf32>
    %div3A_615 = arith.constant 1.000000e+00 : f32
    %div3A_616 = vector.broadcast %div3A_615 : f32 to vector<16xf32>
    %div3A_617 = arith.divf %div3A_616, %add3A_614 : vector<16xf32>
    %swap3A_618 = arith.constant 688 : index
    %swap3A_619 = tpu.vector_load %arg6[%swap3A_618] {strides = array<i32>} : memref<1024xf32, #tpu.memory_space<vmem>>, vector<16xf32>,
    %swap3A_620 = vector.shape_cast %swap3A_619 : vector<16xf32> to vector<16xf32>
    %swap3A_621 = vector.shape_cast %div3A_617 : vector<16xf32> to vector<16xf32>
    tpu.vector_store %arg6[%swap3A_618], %swap3A_621 {strides = array<i32>} : memref<1024xf32, #tpu.memory_space<vmem>>, vector<16xf32>,
    %get3A_622 = arith.constant 704 : index
    %get3A_623 = tpu.vector_load %arg6[%get3A_622] {strides = array<i32>} : memref<1024xf32, #tpu.memory_space<vmem>>, vector<16xf32>,
    %get3A_624 = vector.shape_cast %get3A_623 : vector<16xf32> to vector<16xf32>
    %get3A_625 = arith.constant 960 : index
    %get3A_626 = tpu.vector_load %arg6[%get3A_625] {strides = array<i32>} : memref<1024xf32, #tpu.memory_space<vmem>>, vector<16xf32>,
    %get3A_627 = vector.shape_cast %get3A_626 : vector<16xf32> to vector<16xf32>
    %sub3A_628 = arith.subf %get3A_627, %get3A_624 : vector<16xf32>
    %mul3A_629 = arith.constant 0.00575646292 : f32
    %mul3A_630 = vector.broadcast %mul3A_629 : f32 to vector<16xf32>
    %mul3A_631 = arith.mulf %sub3A_628, %mul3A_630 : vector<16xf32>
    %exp3A_632 = math.exp %mul3A_631 : vector<16xf32>
    %add3A_633 = arith.constant 1.000000e+00 : f32
    %add3A_634 = vector.broadcast %add3A_633 : f32 to vector<16xf32>
    %add3A_635 = arith.addf %add3A_634, %exp3A_632 : vector<16xf32>
    %div3A_636 = arith.constant 1.000000e+00 : f32
    %div3A_637 = vector.broadcast %div3A_636 : f32 to vector<16xf32>
    %div3A_638 = arith.divf %div3A_637, %add3A_635 : vector<16xf32>
    %swap3A_639 = arith.constant 704 : index
    %swap3A_640 = tpu.vector_load %arg6[%swap3A_639] {strides = array<i32>} : memref<1024xf32, #tpu.memory_space<vmem>>, vector<16xf32>,
    %swap3A_641 = vector.shape_cast %swap3A_640 : vector<16xf32> to vector<16xf32>
    %swap3A_642 = vector.shape_cast %div3A_638 : vector<16xf32> to vector<16xf32>
    tpu.vector_store %arg6[%swap3A_639], %swap3A_642 {strides = array<i32>} : memref<1024xf32, #tpu.memory_space<vmem>>, vector<16xf32>,
    %get3A_643 = arith.constant 720 : index
    %get3A_644 = tpu.vector_load %arg6[%get3A_643] {strides = array<i32>} : memref<1024xf32, #tpu.memory_space<vmem>>, vector<16xf32>,
    %get3A_645 = vector.shape_cast %get3A_644 : vector<16xf32> to vector<16xf32>
    %get3A_646 = arith.constant 976 : index
    %get3A_647 = tpu.vector_load %arg6[%get3A_646] {strides = array<i32>} : memref<1024xf32, #tpu.memory_space<vmem>>, vector<16xf32>,
    %get3A_648 = vector.shape_cast %get3A_647 : vector<16xf32> to vector<16xf32>
    %sub3A_649 = arith.subf %get3A_648, %get3A_645 : vector<16xf32>
    %mul3A_650 = arith.constant 0.00575646292 : f32
    %mul3A_651 = vector.broadcast %mul3A_650 : f32 to vector<16xf32>
    %mul3A_652 = arith.mulf %sub3A_649, %mul3A_651 : vector<16xf32>
    %exp3A_653 = math.exp %mul3A_652 : vector<16xf32>
    %add3A_654 = arith.constant 1.000000e+00 : f32
    %add3A_655 = vector.broadcast %add3A_654 : f32 to vector<16xf32>
    %add3A_656 = arith.addf %add3A_655, %exp3A_653 : vector<16xf32>
    %div3A_657 = arith.constant 1.000000e+00 : f32
    %div3A_658 = vector.broadcast %div3A_657 : f32 to vector<16xf32>
    %div3A_659 = arith.divf %div3A_658, %add3A_656 : vector<16xf32>
    %swap3A_660 = arith.constant 720 : index
    %swap3A_661 = tpu.vector_load %arg6[%swap3A_660] {strides = array<i32>} : memref<1024xf32, #tpu.memory_space<vmem>>, vector<16xf32>,
    %swap3A_662 = vector.shape_cast %swap3A_661 : vector<16xf32> to vector<16xf32>
    %swap3A_663 = vector.shape_cast %div3A_659 : vector<16xf32> to vector<16xf32>
    tpu.vector_store %arg6[%swap3A_660], %swap3A_663 {strides = array<i32>} : memref<1024xf32, #tpu.memory_space<vmem>>, vector<16xf32>,
    %get3A_664 = arith.constant 736 : index
    %get3A_665 = tpu.vector_load %arg6[%get3A_664] {strides = array<i32>} : memref<1024xf32, #tpu.memory_space<vmem>>, vector<16xf32>,
    %get3A_666 = vector.shape_cast %get3A_665 : vector<16xf32> to vector<16xf32>
    %get3A_667 = arith.constant 992 : index
    %get3A_668 = tpu.vector_load %arg6[%get3A_667] {strides = array<i32>} : memref<1024xf32, #tpu.memory_space<vmem>>, vector<16xf32>,
    %get3A_669 = vector.shape_cast %get3A_668 : vector<16xf32> to vector<16xf32>
    %sub3A_670 = arith.subf %get3A_669, %get3A_666 : vector<16xf32>
    %mul3A_671 = arith.constant 0.00575646292 : f32
    %mul3A_672 = vector.broadcast %mul3A_671 : f32 to vector<16xf32>
    %mul3A_673 = arith.mulf %sub3A_670, %mul3A_672 : vector<16xf32>
    %exp3A_674 = math.exp %mul3A_673 : vector<16xf32>
    %add3A_675 = arith.constant 1.000000e+00 : f32
    %add3A_676 = vector.broadcast %add3A_675 : f32 to vector<16xf32>
    %add3A_677 = arith.addf %add3A_676, %exp3A_674 : vector<16xf32>
    %div3A_678 = arith.constant 1.000000e+00 : f32
    %div3A_679 = vector.broadcast %div3A_678 : f32 to vector<16xf32>
    %div3A_680 = arith.divf %div3A_679, %add3A_677 : vector<16xf32>
    %swap3A_681 = arith.constant 736 : index
    %swap3A_682 = tpu.vector_load %arg6[%swap3A_681] {strides = array<i32>} : memref<1024xf32, #tpu.memory_space<vmem>>, vector<16xf32>,
    %swap3A_683 = vector.shape_cast %swap3A_682 : vector<16xf32> to vector<16xf32>
    %swap3A_684 = vector.shape_cast %div3A_680 : vector<16xf32> to vector<16xf32>
    tpu.vector_store %arg6[%swap3A_681], %swap3A_684 {strides = array<i32>} : memref<1024xf32, #tpu.memory_space<vmem>>, vector<16xf32>,
    %get3A_685 = arith.constant 752 : index
    %get3A_686 = tpu.vector_load %arg6[%get3A_685] {strides = array<i32>} : memref<1024xf32, #tpu.memory_space<vmem>>, vector<16xf32>,
    %get3A_687 = vector.shape_cast %get3A_686 : vector<16xf32> to vector<16xf32>
    %get3A_688 = arith.constant 1008 : index
    %get3A_689 = tpu.vector_load %arg6[%get3A_688] {strides = array<i32>} : memref<1024xf32, #tpu.memory_space<vmem>>, vector<16xf32>,
    %get3A_690 = vector.shape_cast %get3A_689 : vector<16xf32> to vector<16xf32>
    %sub3A_691 = arith.subf %get3A_690, %get3A_687 : vector<16xf32>
    %mul3A_692 = arith.constant 0.00575646292 : f32
    %mul3A_693 = vector.broadcast %mul3A_692 : f32 to vector<16xf32>
    %mul3A_694 = arith.mulf %sub3A_691, %mul3A_693 : vector<16xf32>
    %exp3A_695 = math.exp %mul3A_694 : vector<16xf32>
    %add3A_696 = arith.constant 1.000000e+00 : f32
    %add3A_697 = vector.broadcast %add3A_696 : f32 to vector<16xf32>
    %add3A_698 = arith.addf %add3A_697, %exp3A_695 : vector<16xf32>
    %div3A_699 = arith.constant 1.000000e+00 : f32
    %div3A_700 = vector.broadcast %div3A_699 : f32 to vector<16xf32>
    %div3A_701 = arith.divf %div3A_700, %add3A_698 : vector<16xf32>
    %swap3A_702 = arith.constant 752 : index
    %swap3A_703 = tpu.vector_load %arg6[%swap3A_702] {strides = array<i32>} : memref<1024xf32, #tpu.memory_space<vmem>>, vector<16xf32>,
    %swap3A_704 = vector.shape_cast %swap3A_703 : vector<16xf32> to vector<16xf32>
    %swap3A_705 = vector.shape_cast %div3A_701 : vector<16xf32> to vector<16xf32>
    tpu.vector_store %arg6[%swap3A_702], %swap3A_705 {strides = array<i32>} : memref<1024xf32, #tpu.memory_space<vmem>>, vector<16xf32>,
    %add3A_706 = arith.constant 256 : i32
    %add3A_707 = arith.addi %mul3A_2, %add3A_706 : i32
    %dma_start3A_708 = arith.constant 512 : i32
    %dma_start3A_709 = tpu.memref_slice %arg6[%dma_start3A_708] : memref<1024xf32, #tpu.memory_space<vmem>> -> memref<256xf32, #tpu.memory_space<vmem>>
    %dma_start3A_710 = tpu.memref_slice %arg4[%add3A_707] : memref<16384xf32, #tpu.memory_space<hbm>> -> memref<256xf32, #tpu.memory_space<hbm>>
    %dma_start3A_711 = tpu.memref_slice %arg4[%add3A_707] : memref<16384xf32, #tpu.memory_space<hbm>> -> memref<256xf32, #tpu.memory_space<hbm>>
    %dma_start3A_712 = arith.constant 512 : i32
    %dma_start3A_713 = tpu.memref_slice %arg6[%dma_start3A_712] : memref<1024xf32, #tpu.memory_space<vmem>> -> memref<256xf32, #tpu.memory_space<vmem>>
    tpu.enqueue_dma source(%dma_start3A_713 : memref<256xf32, #tpu.memory_space<vmem>>) target(%dma_start3A_711 : memref<256xf32, #tpu.memory_space<hbm>>) target_semaphore(%arg9 : memref<!tpu.dma_semaphore, #tpu.memory_space<semaphore_mem>>)
    %dma_wait3A_714 = arith.constant 0 : i32
    %dma_wait3A_715 = tpu.memref_slice %arg6[%dma_wait3A_714] : memref<1024xf32, #tpu.memory_space<vmem>> -> memref<256xf32, #tpu.memory_space<vmem>>
    %dma_wait3A_716 = tpu.memref_slice %arg4[%add3A_357] : memref<16384xf32, #tpu.memory_space<hbm>> -> memref<256xf32, #tpu.memory_space<hbm>>
    %dma_wait3A_717 = tpu.memref_slice %arg4[%add3A_357] : memref<16384xf32, #tpu.memory_space<hbm>> -> memref<256xf32, #tpu.memory_space<hbm>>
    %dma_wait3A_718 = arith.constant 0 : i32
    %dma_wait3A_719 = tpu.memref_slice %arg6[%dma_wait3A_718] : memref<1024xf32, #tpu.memory_space<vmem>> -> memref<256xf32, #tpu.memory_space<vmem>>
    tpu.wait_dma2 semaphore(%arg9 : memref<!tpu.dma_semaphore, #tpu.memory_space<semaphore_mem>>) src(%dma_wait3A_719 : memref<256xf32, #tpu.memory_space<vmem>>) dst(%dma_wait3A_717 : memref<256xf32, #tpu.memory_space<hbm>>)
    %dma_wait3A_720 = arith.constant 512 : i32
    %dma_wait3A_721 = tpu.memref_slice %arg6[%dma_wait3A_720] : memref<1024xf32, #tpu.memory_space<vmem>> -> memref<256xf32, #tpu.memory_space<vmem>>
    %dma_wait3A_722 = tpu.memref_slice %arg4[%add3A_707] : memref<16384xf32, #tpu.memory_space<hbm>> -> memref<256xf32, #tpu.memory_space<hbm>>
    %dma_wait3A_723 = tpu.memref_slice %arg4[%add3A_707] : memref<16384xf32, #tpu.memory_space<hbm>> -> memref<256xf32, #tpu.memory_space<hbm>>
    %dma_wait3A_724 = arith.constant 512 : i32
    %dma_wait3A_725 = tpu.memref_slice %arg6[%dma_wait3A_724] : memref<1024xf32, #tpu.memory_space<vmem>> -> memref<256xf32, #tpu.memory_space<vmem>>
    tpu.wait_dma2 semaphore(%arg9 : memref<!tpu.dma_semaphore, #tpu.memory_space<semaphore_mem>>) src(%dma_wait3A_725 : memref<256xf32, #tpu.memory_space<vmem>>) dst(%dma_wait3A_723 : memref<256xf32, #tpu.memory_space<hbm>>)
    return
  }
}

</mosaic_0001>

<sc_bundles>
// kernel: kernel.3.cloned.1.call-start
scs
__scs_entry_jumppad:
0x0: {  	(pc) =	sbr.rel $0x88, $3  }
0x1: {  	(tag) =	ssettag $0x0;
	lr =	simm.s32 $0x1  }
0x2: {  	[smem:$0x3F9E] =	sst lr;
	_ =	strace $0xD0000000  }
0x3: {  	_ = 	snop  }
0x4: {  	_ = 	snop  }
0x5: {  	_ = 	snop  }
0x6: {  	_ = 	snop  }
0x7: {  	_ = 	snop  }
__scs_overlays_trampoline_lowered:
0x8: {  	[smem:$0x3FAD] =	sst s0  }
0x9: {  	[smem:$0x3FAE] =	sst s1  }
0xa: {  	[smem:$0x3FAF] =	sst s2  }
0xb: {  	[smem:$0x3FB0] =	sst s3  }
0xc: {  	[smem:$0x3FB1] =	sst s4  }
0xd: {  	[smem:$0x3FB2] =	sst s5  }
0xe: {  	[smem:$0x3FB3] =	sst s6  }
0xf: {  	[smem:$0x3FB4] =	sst s7  }
0x10: {  	[smem:$0x3FB5] =	sst s8  }
0x11: {  	[smem:$0x3FB6] =	sst s9;
	s0 =	simm.s32 @!p0 $0x0  }
0x12: {  	s1 =	sld [smem:$0x3F9C];
	s0 =	simm.s32 @p0 $0x1  }
0x13: {  	[smem:$0x3FB7] =	sst s0;
	s0 =	simm.s32 @!p1 $0x0  }
0x14: {  	s2 =	sld [smem:$0x3F9B];
	s0 =	simm.s32 @p1 $0x1  }
0x15: {  	[smem:$0x3FB8] =	sst s0;
	s0 =	simm.s32 @!p2 $0x0  }
0x16: {  	s3 =	sld [smem:$0x3FDB];
	s0 =	simm.s32 @p2 $0x1  }
0x17: {  	s4 =	simm.s32 $0x1BF5;
	[smem:$0x3FBA] =	sst s0  }
0x18: {  	s0 =	sld [smem:$0x3F9D];
	_ =	swait.ge [sflag:s4], $0x0  }
0x19: {  	s7 =	sld [smem:$0x3F9E]  }
0x1a: {  	s8 =	sadd.s32 $0xFFFFE003, lr  }
0x1b: {  	s9 =	sadd.s32 $0xFFFFFEF7, lr;
	s5 =	simm.s32 $0xFFFFFFFF;
	p2 =	slt.u32 s8, $0xFFFFF086  }
0x1c: {  	p1 =	slt.u32 s9, $0xF7A;
	s5 =	simm.s32 @!p2 $0x0  }
0x1d: {  	s5 =	simm.s32 @p1 $0x1;
	p0 =	seq.s32 s7, s2  }
0x1e: {  	s7 =	smul.u32 @!p0 $0xF7A, s2;
	p2 =	seq.s32 @!p0 s5, $0x0  }
0x1f: {  	s9 =	smul.u32 $0xF7A, s1;
	s8 =	simm.s32 @!p0 $0x1BF5;
	p2 =	por !p2, p0  }
0x20: {  	[sflag:s8] =	ssyncset.s32 @!p0 $0xFFFFF086;
	s6 =	sadd.s32 @!p0 s3, s7;
	s7 =	simm.s32 @!p0 $0x108  }
0x21: {  	s3 =	sadd.s32 s3, s9;
	s6 =	sadd.s32 @!p0 $0x88, s6;
	s7 =	simm.s32 @p2 $0x1082  }
0x22: {  	[simem:s7], [sflag:s8] =	dma.local @!p0 [hbm:s6], $0xF7A  }
0x23: {  	s9 =	sor.u32 $0xD0000000, s2;
	s6 =	simm.s32 $0x108;
	_ =	swait.ge @!p0 [sflag:s8], $0x0  }
0x24: {  	s3 =	sadd.s32 $0x88, s3;
	s6 =	simm.s32 @!p1 $0x1082;
	[sflag:s4] =	ssyncset.s32 $0xFFFFF086  }
0x25: {  	[simem:s6], [sflag:s4] =	dma.local [hbm:s3], $0xF7A  }
0x26: {  	[smem:$0x3F9E] =	sst s1;
	(tag) =	ssettag s2;
	_ =	strace s9  }
0x27: {  	s1 =	sld [smem:$0x3FAE]  }
0x28: {  	s2 =	sld [smem:$0x3FAF]  }
0x29: {  	s4 =	sld [smem:$0x3FB1]  }
0x2a: {  	p0 =	seq.s32 s5, $0x0;
	s5 =	sld [smem:$0x3FB2]  }
0x2b: {  	s6 =	sld [smem:$0x3FB3]  }
0x2c: {  	s7 =	sld [smem:$0x3FB4]  }
0x2d: {  	s3 =	simm.s32 $0x108;
	s8 =	sld [smem:$0x3FB5]  }
0x2e: {  	s3 =	simm.s32 @!p0 $0x1082;
	s9 =	sld [smem:$0x3FB6]  }
0x2f: {  	lr =	sadd.s32 s0, s3;
	s0 =	sld [smem:$0x3FAD]  }
0x30: {  	s3 =	sld [smem:$0x3FB0]  }
0x31: {  	[smem:$0x3FB9] =	sst s10  }
0x32: {  	s10 =	sld [smem:$0x3FB7];
	_ =	sdelay $0x3  }
0x33: {  	p0 =	seq.s32 s10, $0x1;
	s10 =	sld [smem:$0x3FB9];
	_ =	sdelay $0x3  }
0x34: {  	[smem:$0x3FB9] =	sst s10  }
0x35: {  	s10 =	sld [smem:$0x3FB8];
	_ =	sdelay $0x3  }
0x36: {  	p1 =	seq.s32 s10, $0x1;
	s10 =	sld [smem:$0x3FB9];
	_ =	sdelay $0x3  }
0x37: {  	[smem:$0x3FB9] =	sst s10  }
0x38: {  	s10 =	sld [smem:$0x3FBA]  }
0x39: {  	_ = 	snop;
	(pc) =	sbr.ind lr, $3  }
0x3a: {  	_ = 	snop  }
0x3b: {  	_ = 	snop  }
0x3c: {  	p2 =	seq.s32 s10, $0x1;
	s10 =	sld [smem:$0x3FB9]  }
0x3d: {  	_ =	shalt  }
0x3e: {  	_ =	shalt  }
0x3f: {  	_ =	shalt  }
0x40: {  	_ =	shalt  }
0x41: {  	_ =	shalt  }
0x42: {  	_ =	shalt  }
0x43: {  	_ =	shalt  }
0x44: {  	_ =	shalt  }
0x45: {  	_ =	shalt  }
0x46: {  	_ =	shalt  }
0x47: {  	_ =	shalt  }
0x48: {  	_ =	shalt  }
0x49: {  	_ =	shalt  }
0x4a: {  	_ =	shalt  }
0x4b: {  	_ =	shalt  }
0x4c: {  	_ =	shalt  }
0x4d: {  	_ =	shalt  }
0x4e: {  	_ =	shalt  }
0x4f: {  	_ =	shalt  }
0x50: {  	_ =	shalt  }
0x51: {  	_ =	shalt  }
0x52: {  	_ =	shalt  }
0x53: {  	_ =	shalt  }
0x54: {  	_ =	shalt  }
0x55: {  	_ =	shalt  }
0x56: {  	_ =	shalt  }
0x57: {  	_ =	shalt  }
0x58: {  	_ =	shalt  }
0x59: {  	_ =	shalt  }
0x5a: {  	_ =	shalt  }
0x5b: {  	_ =	shalt  }
0x5c: {  	_ =	shalt  }
0x5d: {  	_ =	shalt  }
0x5e: {  	_ =	shalt  }
0x5f: {  	_ =	shalt  }
0x60: {  	_ =	shalt  }
0x61: {  	_ =	shalt  }
0x62: {  	_ =	shalt  }
0x63: {  	_ =	shalt  }
0x64: {  	_ =	shalt  }
0x65: {  	_ =	shalt  }
0x66: {  	_ =	shalt  }
0x67: {  	_ =	shalt  }
0x68: {  	_ =	shalt  }
0x69: {  	_ =	shalt  }
0x6a: {  	_ =	shalt  }
0x6b: {  	_ =	shalt  }
0x6c: {  	_ =	shalt  }
0x6d: {  	_ =	shalt  }
0x6e: {  	_ =	shalt  }
0x6f: {  	_ =	shalt  }
0x70: {  	_ =	shalt  }
0x71: {  	_ =	shalt  }
0x72: {  	_ =	shalt  }
0x73: {  	_ =	shalt  }
0x74: {  	_ =	shalt  }
0x75: {  	_ =	shalt  }
0x76: {  	_ =	shalt  }
0x77: {  	_ =	shalt  }
0x78: {  	_ =	shalt  }
0x79: {  	_ =	shalt  }
0x7a: {  	_ =	shalt  }
0x7b: {  	_ =	shalt  }
0x7c: {  	_ =	shalt  }
0x7d: {  	_ =	shalt  }
0x7e: {  	_ =	shalt  }
0x7f: {  	_ =	shalt  }
0x80: {  	_ =	shalt  }
0x81: {  	_ =	shalt  }
0x82: {  	_ =	shalt  }
0x83: {  	_ =	shalt  }
0x84: {  	_ =	shalt  }
0x85: {  	_ =	shalt  }
0x86: {  	_ =	shalt  }
0x87: {  	_ =	shalt  }
.Lfunc_end0:
.L_simem_size_0:
called_computation_lowered:
.L_overlay_start_0:
0x88: {  	s2 =	sld [smem:$0x3FD9]  }
0x89: {  	s3 =	sld [smem:$0x3FFE];
	_ =	sdelay $0x1  }
0x8a: {  	s1 =	srdreg.scid  }
0x8b: {  	s0 =	sand.u32 $0x1, s1  }
0x8c: {  	s17 =	sshll.u32 s0, $0xA;
	s2 =	sadd.s32 s3, s2  }
0x8d: {  	s2 =	sadd.s32 s2, s17  }
0x8e: {  	[smem:$0x3FC5] =	sst s2  }
0x8f: {  	_ = 	snop  }
0x90: {  	s2 =	sld [smem:$0x3FC7]  }
0x91: {  	s18 =	sld [smem:$0x3FD0];
	(tm) =	ssettm $0x1  }
0x92: {  	s4 =	sld [smem:$0x3FFB];
	_ =	sdelay $0x3  }
0x93: {  	_ =	strace s4  }
0x94: {  	s4 =	sld [smem:$0x3FFC];
	_ =	sdelay $0x3  }
0x95: {  	_ =	strace s4  }
0x96: {  	s4 =	sld [smem:$0x3FFD];
	_ =	sdelay $0x3  }
0x97: {  	_ =	strace s4  }
0x98: {  	_ =	strace $0x8FFFFFFF  }
0x99: {  	s19 =	sld [smem:$0x3FDB];
	_ =	sdelay $0x1  }
0x9a: {  	s5 =	simm.s32 $_scs_section_size  }
0x9b: {  	s6 =	simm.s32 $_size__tile_overlayer_lowered;
	s7 =	simm.s32 $_tile_overlayer_lowered  }
0x9c: {  	s22 =	simm.s32 $0x1BFF;
	s21 =	sshll.u32 s7, $0x1;
	s4 =	sadd.s32 s5, s19  }
0x9d: {  	s8 =	simm.s32 $0x0;
	s20 =	sshll.u32 s6, $0x1;
	s6 =	sadd.s32 s21, s4  }
0x9e: {  	[timem:s8], [sflag:s22] =	dma.local [hbm:s6], s20  }
0x9f: {  	_ =	swait.ge [sflag:s22], s20  }
0xa0: {  	s5 =	ssub.s32 $0x0, s20;
	[sflag:s22] =	ssyncset.done $0x0  }
0xa1: {  	[sflag:s22] =	ssyncadd.s32 s5;
	_ =	sdelay $0x1  }
0xa2: {  	s23 =	simm.s32 $0x1B8B  }
0xa3: {  	_ =	swait.ge [sflag:s23], $0x1  }
0xa4: {  	[sflag:s23] =	ssyncset.done $0x0  }
0xa5: {  	s25 =	simm.s32 $0x1B8E;
	s24 =	sld [smem:$0x3FFE];
	[sflag:s23] =	ssyncadd.s32 $0xFFFFFFFF  }
0xa6: {  	s26 =	simm.s32 $execute0_lowered;
	[smem:$0x3FD2] =	sst s25  }
0xa7: {  	s6 =	sshll.u32 s26, $0x1;
	_ =	strace $0x80000046;
	[dreg:$0x1] =	wrdreg $0xFFFFFFFF  }
0xa8: {  	s28 =	simm.s32 $_size_execute0_lowered;
	s4 =	sadd.s32 s4, s6;
	[dreg:$0x0] =	wrdreg $0x0  }
0xa9: {  	s6 =	sshll.u32 s28, $0x1;
	[dreg:$0x2] =	wrdreg s4  }
0xaa: {  	[dreg:$0x3] =	wrdreg s6  }
0xab: {  	[dreg:$0x4] =	wrdreg $0xC0  }
0xac: {  	_ =	task [dreg:s8], $0x5FFFF  }
0xad: {  	[dreg:$0x1] =	wrdreg $0xFFFFFFFF  }
0xae: {  	[dreg:$0x0] =	wrdreg $0x60  }
0xaf: {  	[dreg:$0x2] =	wrdreg s24  }
0xb0: {  	[dreg:$0x3] =	wrdreg s2  }
0xb1: {  	[dreg:$0x4] =	wrdreg s18  }
0xb2: {  	[dreg:$0x5] =	wrdreg $0x9  }
0xb3: {  	_ =	task.clear_ibuf [dreg:s8], $0x6FFFF;
	_ =	strace $0x90000046  }
0xb4: {  	s29 =	simm.s32 $0x9;
	_ =	strace $0x80000048  }
0xb5: {  	_ =	swait.ge [sflag:s29], $0x1  }
0xb6: {  	[sflag:s29] =	ssyncadd.s32 $0xFFFFFFFF  }
0xb7: {  	_ =	strace $0x90000048  }
0xb8: {  	_ =	sfence  }
0xb9: {  	s30 =	sld [smem:$0x0];
	_ =	sdelay $0x2  }
0xba: {  	s31 =	sshll.u32 s1, $0xD;
	s1 =	sshrl.u32 s1, $0x2  }
0xbb: {  	s3 =	sand.u32 $0x4000, s31;
	s1 =	sadd.s32 s1, s30  }
0xbc: {  	s0 =	sor.u32 s3, s0;
	s1 =	sshll.u32 s1, $0x11  }
0xbd: {  	s0 =	sor.u32 s1, s0  }
0xbe: {  	s0 =	sadd.s32 $0x8F2B, s0  }
0xbf: {  	[sflag:s0] =	ssyncadd.remote.s32 $0x1  }
0xc0: {  	_ =	sfence.sel $0xFFFF  }
0xc1: {  	[dreg:$0x0] =	wrdreg $0xFFFFFFFF;
	(pc) =	sbr.abs _section_cstart, $3  }
0xc2: {  	[dreg:$0x1] =	wrdreg $0xFFFFFFFF  }
0xc3: {  	_ =	task.clear_ibuf [dreg:s8], $0x2FFFF;
	_ =	strace $0x9FFFFFFF  }
0xc4: {  	(tm) =	ssettm $0x7FFFFFFF  }
0xc5: {  	_ =	shalt  }
tec
execute0_lowered:
.L_overlay_start_1:
0x0: {  	(tag) =	ssettag $0x1  }
0x1: {  	s4 =	rddreg [dreg:$0x0]  }
0x2: {  	s1 =	rddreg [dreg:$0x1]  }
0x3: {  	s5 =	rddreg [dreg:$0x2]  }
0x4: {  	s0 =	rddreg [dreg:$0x3]  }
0x5: {  	s3 =	simm.s32 $0x0;
	s6 =	srdreg.scid;
	s2 =	stileid.u32  }
0x6: {  	s10 =	simm.s32 $0x400;
	s11 =	simm.s32 $0x600;
	s12 =	simm.s32 $0x2  }
0x7: {  	[smem:$0x7FF] =	sst s3;
	s6 =	sand.u32 $0x1, s6;
	s7 =	sshll.u32 s2, $0x1  }
0x8: {  	s13 =	simm.s32 $0x3;
	_ =	strace $0x80000047;
	s7 =	sor.u32 s6, s7  }
0x9: {  	s6 =	ssub.s32 $0x2, s6;
	s8 =	sshll.u32 s7, $0x7;
	s7 =	sshll.u32 s7, $0x6  }
0xa: {  	s9 =	sshrl.u32 s6, $0x1;
	s8 =	sadd.s32 s8, s4;
	s4 =	sadd.s32 s5, s7  }
0xb: {  	s9 =	ssub.s32 s6, s9;
	s5 =	sadd.s32 $0x400, s8;
	s6 =	sadd.s32 $0x20, s4  }
0xc: {  	s7 =	smax.u32 s9, $0x1;
	s8 =	simm.s32 $0x1;
	s9 =	simm.s32 $0x200  }
.LBB2_1:
0xd: {  	[tilespmem:s3], [sflag:$0x1] =	stream.linear.gather [hbm4b:s5+s3], $0x400, $0x38;
	[tilespmem:$0x800] =	vst v63  }
0xe: {  	_ =	swait.ge [sflag:s8], $0x400  }
0xf: {  	[sflag:s8] =	ssyncset.done $0x0  }
0x10: {  	[sflag:s8] =	ssyncadd.s32 $0xFFFFFC00  }
0x11: {  	[tilespmem:s10], [sflag:$0x2] =	stream.indirect.gather [hbm4b:s1+s9], $0x1, s3, s9, $0xb8;
	[tilespmem:$0x800] =	vst v63  }
0x12: {  	_ = 	snop  }
0x13: {  	[tilespmem:s11], [sflag:$0x1] =	stream.indirect.gather [hbm4b:s1+s9], $0x1, s9, s9, $0xb8;
	[tilespmem:$0x800] =	vst v63  }
0x14: {  	_ =	swait.ge [sflag:s12], $0x200  }
0x15: {  	[sflag:s12] =	ssyncset.done $0x0  }
0x16: {  	[sflag:s12] =	ssyncadd.s32 $0xFFFFFE00  }
0x17: {  	v0 =	vld [tilespmem:$0x400]  }
0x18: {  	v1 =	vld [tilespmem:$0x500];
	_ =	sdelay $0x4  }
0x19: {  	v0 =	vsub.f32 v1, v0;
	_ =	sdelay $0x1  }
0x1a: {  	v0 =	vmul.f32 $5.756462920e-03, v0;
	_ =	sdelay $0x1  }
0x1b: {  	v0 =	vmul.f32 $1.442695020e+00, v0;
	_ =	sdelay $0x1  }
0x1c: {  	(erf) = vpow2.f32 v0  }
0x1d: {  	v49 =	vld [tilespmem:$0x410]  }
0x1e: {  	v50 =	vld [tilespmem:$0x510];
	_ =	sdelay $0x4  }
0x1f: {  	v0 =	vsub.f32 v50, v49;
	_ =	sdelay $0x1  }
0x20: {  	v0 =	vmul.f32 $5.756462920e-03, v0;
	v51 =	vpop (erf)  }
0x21: {  	v1 =	vadd.f32 $1.000000000e+00, v51  }
0x22: {  	v0 =	vmul.f32 $1.442695020e+00, v0  }
0x23: {  	(erf) = vrcp.f32 v1  }
0x24: {  	(erf) = vpow2.f32 v0  }
0x25: {  	v52 =	vld [tilespmem:$0x420]  }
0x26: {  	v53 =	vld [tilespmem:$0x520];
	_ =	sdelay $0x4  }
0x27: {  	v1 =	vsub.f32 v53, v52  }
0x28: {  	v54 =	vpop (erf)  }
0x29: {  	v1 =	vmul.f32 $5.756462920e-03, v1;
	v2 =	vpop (erf)  }
0x2a: {  	v2 =	vadd.f32 $1.000000000e+00, v2  }
0x2b: {  	v1 =	vmul.f32 $1.442695020e+00, v1  }
0x2c: {  	(erf) = vrcp.f32 v2  }
0x2d: {  	(erf) = vpow2.f32 v1  }
0x2e: {  	v55 =	vld [tilespmem:$0x430]  }
0x2f: {  	v56 =	vld [tilespmem:$0x530];
	_ =	sdelay $0x4  }
0x30: {  	v1 =	vsub.f32 v56, v55  }
0x31: {  	v57 =	vpop (erf)  }
0x32: {  	v1 =	vmul.f32 $5.756462920e-03, v1;
	v3 =	vpop (erf)  }
0x33: {  	v3 =	vadd.f32 $1.000000000e+00, v3  }
0x34: {  	v1 =	vmul.f32 $1.442695020e+00, v1  }
0x35: {  	(erf) = vrcp.f32 v3  }
0x36: {  	(erf) = vpow2.f32 v1  }
0x37: {  	v58 =	vld [tilespmem:$0x440]  }
0x38: {  	v59 =	vld [tilespmem:$0x540];
	_ =	sdelay $0x4  }
0x39: {  	v1 =	vsub.f32 v59, v58  }
0x3a: {  	v60 =	vpop (erf)  }
0x3b: {  	v1 =	vmul.f32 $5.756462920e-03, v1;
	v4 =	vpop (erf)  }
0x3c: {  	v4 =	vadd.f32 $1.000000000e+00, v4  }
0x3d: {  	v1 =	vmul.f32 $1.442695020e+00, v1  }
0x3e: {  	(erf) = vrcp.f32 v4  }
0x3f: {  	(erf) = vpow2.f32 v1  }
0x40: {  	v61 =	vld [tilespmem:$0x450]  }
0x41: {  	v62 =	vld [tilespmem:$0x550];
	_ =	sdelay $0x4  }
0x42: {  	v1 =	vsub.f32 v62, v61  }
0x43: {  	v63 =	vpop (erf)  }
0x44: {  	v1 =	vmul.f32 $5.756462920e-03, v1;
	v5 =	vpop (erf)  }
0x45: {  	v5 =	vadd.f32 $1.000000000e+00, v5  }
0x46: {  	v1 =	vmul.f32 $1.442695020e+00, v1  }
0x47: {  	(erf) = vrcp.f32 v5  }
0x48: {  	(erf) = vpow2.f32 v1  }
0x49: {  	v18 =	vld [tilespmem:$0x460]  }
0x4a: {  	v19 =	vld [tilespmem:$0x560];
	_ =	sdelay $0x4  }
0x4b: {  	v1 =	vsub.f32 v19, v18  }
0x4c: {  	v20 =	vpop (erf)  }
0x4d: {  	v1 =	vmul.f32 $5.756462920e-03, v1;
	v6 =	vpop (erf)  }
0x4e: {  	v6 =	vadd.f32 $1.000000000e+00, v6  }
0x4f: {  	v1 =	vmul.f32 $1.442695020e+00, v1  }
0x50: {  	(erf) = vrcp.f32 v6  }
0x51: {  	(erf) = vpow2.f32 v1  }
0x52: {  	v21 =	vld [tilespmem:$0x470]  }
0x53: {  	v22 =	vld [tilespmem:$0x570];
	_ =	sdelay $0x4  }
0x54: {  	v1 =	vsub.f32 v22, v21  }
0x55: {  	v23 =	vpop (erf)  }
0x56: {  	v1 =	vmul.f32 $5.756462920e-03, v1;
	v7 =	vpop (erf)  }
0x57: {  	v7 =	vadd.f32 $1.000000000e+00, v7  }
0x58: {  	v1 =	vmul.f32 $1.442695020e+00, v1  }
0x59: {  	(erf) = vrcp.f32 v7  }
0x5a: {  	(erf) = vpow2.f32 v1  }
0x5b: {  	v24 =	vld [tilespmem:$0x480]  }
0x5c: {  	v25 =	vld [tilespmem:$0x580];
	_ =	sdelay $0x4  }
0x5d: {  	v1 =	vsub.f32 v25, v24  }
0x5e: {  	v26 =	vpop (erf)  }
0x5f: {  	v1 =	vmul.f32 $5.756462920e-03, v1;
	v8 =	vpop (erf)  }
0x60: {  	v8 =	vadd.f32 $1.000000000e+00, v8  }
0x61: {  	v1 =	vmul.f32 $1.442695020e+00, v1  }
0x62: {  	(erf) = vrcp.f32 v8  }
0x63: {  	(erf) = vpow2.f32 v1  }
0x64: {  	v27 =	vld [tilespmem:$0x490]  }
0x65: {  	v28 =	vld [tilespmem:$0x590];
	_ =	sdelay $0x4  }
0x66: {  	v1 =	vsub.f32 v28, v27  }
0x67: {  	v29 =	vpop (erf)  }
0x68: {  	v1 =	vmul.f32 $5.756462920e-03, v1;
	v9 =	vpop (erf)  }
0x69: {  	v9 =	vadd.f32 $1.000000000e+00, v9  }
0x6a: {  	v1 =	vmul.f32 $1.442695020e+00, v1  }
0x6b: {  	(erf) = vrcp.f32 v9  }
0x6c: {  	(erf) = vpow2.f32 v1  }
0x6d: {  	v30 =	vld [tilespmem:$0x4A0]  }
0x6e: {  	v31 =	vld [tilespmem:$0x5A0];
	_ =	sdelay $0x4  }
0x6f: {  	v1 =	vsub.f32 v31, v30  }
0x70: {  	v32 =	vpop (erf)  }
0x71: {  	v1 =	vmul.f32 $5.756462920e-03, v1;
	v10 =	vpop (erf)  }
0x72: {  	v10 =	vadd.f32 $1.000000000e+00, v10  }
0x73: {  	v1 =	vmul.f32 $1.442695020e+00, v1  }
0x74: {  	(erf) = vrcp.f32 v10  }
0x75: {  	(erf) = vpow2.f32 v1  }
0x76: {  	v33 =	vld [tilespmem:$0x4B0]  }
0x77: {  	v34 =	vld [tilespmem:$0x5B0];
	_ =	sdelay $0x4  }
0x78: {  	v1 =	vsub.f32 v34, v33  }
0x79: {  	v35 =	vpop (erf)  }
0x7a: {  	v1 =	vmul.f32 $5.756462920e-03, v1;
	v11 =	vpop (erf)  }
0x7b: {  	v11 =	vadd.f32 $1.000000000e+00, v11  }
0x7c: {  	v1 =	vmul.f32 $1.442695020e+00, v1  }
0x7d: {  	(erf) = vrcp.f32 v11  }
0x7e: {  	(erf) = vpow2.f32 v1  }
0x7f: {  	v36 =	vld [tilespmem:$0x4C0]  }
0x80: {  	v37 =	vld [tilespmem:$0x5C0];
	_ =	sdelay $0x4  }
0x81: {  	v1 =	vsub.f32 v37, v36  }
0x82: {  	v38 =	vpop (erf)  }
0x83: {  	v1 =	vmul.f32 $5.756462920e-03, v1;
	v12 =	vpop (erf)  }
0x84: {  	v12 =	vadd.f32 $1.000000000e+00, v12  }
0x85: {  	v1 =	vmul.f32 $1.442695020e+00, v1  }
0x86: {  	(erf) = vrcp.f32 v12  }
0x87: {  	(erf) = vpow2.f32 v1  }
0x88: {  	v39 =	vld [tilespmem:$0x4D0]  }
0x89: {  	v40 =	vld [tilespmem:$0x5D0];
	_ =	sdelay $0x4  }
0x8a: {  	v1 =	vsub.f32 v40, v39  }
0x8b: {  	v41 =	vpop (erf)  }
0x8c: {  	v1 =	vmul.f32 $5.756462920e-03, v1;
	v13 =	vpop (erf)  }
0x8d: {  	v13 =	vadd.f32 $1.000000000e+00, v13  }
0x8e: {  	v1 =	vmul.f32 $1.442695020e+00, v1  }
0x8f: {  	(erf) = vrcp.f32 v13  }
0x90: {  	(erf) = vpow2.f32 v1  }
0x91: {  	v42 =	vld [tilespmem:$0x4E0]  }
0x92: {  	v43 =	vld [tilespmem:$0x5E0];
	_ =	sdelay $0x4  }
0x93: {  	v1 =	vsub.f32 v43, v42  }
0x94: {  	v44 =	vpop (erf)  }
0x95: {  	v1 =	vmul.f32 $5.756462920e-03, v1;
	v14 =	vpop (erf)  }
0x96: {  	v14 =	vadd.f32 $1.000000000e+00, v14  }
0x97: {  	v1 =	vmul.f32 $1.442695020e+00, v1  }
0x98: {  	(erf) = vrcp.f32 v14  }
0x99: {  	(erf) = vpow2.f32 v1  }
0x9a: {  	v45 =	vld [tilespmem:$0x4F0]  }
0x9b: {  	v46 =	vld [tilespmem:$0x5F0];
	_ =	sdelay $0x4  }
0x9c: {  	v1 =	vsub.f32 v46, v45  }
0x9d: {  	v47 =	vpop (erf)  }
0x9e: {  	v1 =	vmul.f32 $5.756462920e-03, v1;
	v15 =	vpop (erf)  }
0x9f: {  	v15 =	vadd.f32 $1.000000000e+00, v15  }
0xa0: {  	v1 =	vmul.f32 $1.442695020e+00, v1  }
0xa1: {  	(erf) = vrcp.f32 v15  }
0xa2: {  	(erf) = vpow2.f32 v1;
	_ =	sdelay $0x6  }
0xa3: {  	[tilespmem:$0x400] =	vst v54  }
0xa4: {  	[tilespmem:$0x410] =	vst v57;
	v48 =	vpop (erf)  }
0xa5: {  	[tilespmem:$0x420] =	vst v60;
	v1 =	vpop (erf)  }
0xa6: {  	[tilespmem:$0x430] =	vst v63;
	v1 =	vadd.f32 $1.000000000e+00, v1  }
0xa7: {  	[tilespmem:$0x440] =	vst v20  }
0xa8: {  	[tilespmem:$0x450] =	vst v23;
	(erf) = vrcp.f32 v1  }
0xa9: {  	[tilespmem:$0x460] =	vst v26  }
0xaa: {  	[tilespmem:$0x470] =	vst v29  }
0xab: {  	[tilespmem:$0x480] =	vst v32  }
0xac: {  	[tilespmem:$0x490] =	vst v35  }
0xad: {  	[tilespmem:$0x4A0] =	vst v38  }
0xae: {  	[tilespmem:$0x4B0] =	vst v41  }
0xaf: {  	[tilespmem:$0x4C0] =	vst v44  }
0xb0: {  	[tilespmem:$0x4D0] =	vst v47  }
0xb1: {  	[tilespmem:$0x4E0] =	vst v48;
	v49 =	vpop (erf)  }
0xb2: {  	[tilespmem:$0x4F0] =	vst v49  }
0xb3: {  	[hbm4b:s4+s3] =	stream.linear.scatter [tilespmem:s10], [sflag:$0x3], $0x100, $0x38;
	[tilespmem:$0x800] =	vst v63  }
0xb4: {  	_ =	swait.ge [sflag:s8], $0x200  }
0xb5: {  	[sflag:s8] =	ssyncset.done $0x0  }
0xb6: {  	[sflag:s8] =	ssyncadd.s32 $0xFFFFFE00  }
0xb7: {  	v50 =	vld [tilespmem:$0x600]  }
0xb8: {  	v51 =	vld [tilespmem:$0x700];
	_ =	sdelay $0x4  }
0xb9: {  	v0 =	vsub.f32 v51, v50;
	_ =	sdelay $0x1  }
0xba: {  	v0 =	vmul.f32 $5.756462920e-03, v0;
	_ =	sdelay $0x1  }
0xbb: {  	v0 =	vmul.f32 $1.442695020e+00, v0;
	_ =	sdelay $0x1  }
0xbc: {  	(erf) = vpow2.f32 v0  }
0xbd: {  	v52 =	vld [tilespmem:$0x610]  }
0xbe: {  	v53 =	vld [tilespmem:$0x710];
	_ =	sdelay $0x4  }
0xbf: {  	v0 =	vsub.f32 v53, v52;
	_ =	sdelay $0x1  }
0xc0: {  	v0 =	vmul.f32 $5.756462920e-03, v0;
	v54 =	vpop (erf)  }
0xc1: {  	v1 =	vadd.f32 $1.000000000e+00, v54  }
0xc2: {  	v0 =	vmul.f32 $1.442695020e+00, v0  }
0xc3: {  	(erf) = vrcp.f32 v1  }
0xc4: {  	(erf) = vpow2.f32 v0  }
0xc5: {  	v55 =	vld [tilespmem:$0x620]  }
0xc6: {  	v56 =	vld [tilespmem:$0x720];
	_ =	sdelay $0x4  }
0xc7: {  	v1 =	vsub.f32 v56, v55  }
0xc8: {  	v0 =	vpop (erf)  }
0xc9: {  	v1 =	vmul.f32 $5.756462920e-03, v1;
	v57 =	vpop (erf)  }
0xca: {  	v2 =	vadd.f32 $1.000000000e+00, v57  }
0xcb: {  	v1 =	vmul.f32 $1.442695020e+00, v1  }
0xcc: {  	(erf) = vrcp.f32 v2  }
0xcd: {  	(erf) = vpow2.f32 v1  }
0xce: {  	v58 =	vld [tilespmem:$0x630]  }
0xcf: {  	v59 =	vld [tilespmem:$0x730];
	_ =	sdelay $0x4  }
0xd0: {  	v2 =	vsub.f32 v59, v58  }
0xd1: {  	v1 =	vpop (erf)  }
0xd2: {  	v2 =	vmul.f32 $5.756462920e-03, v2;
	v60 =	vpop (erf)  }
0xd3: {  	v3 =	vadd.f32 $1.000000000e+00, v60  }
0xd4: {  	v2 =	vmul.f32 $1.442695020e+00, v2  }
0xd5: {  	(erf) = vrcp.f32 v3  }
0xd6: {  	(erf) = vpow2.f32 v2  }
0xd7: {  	v61 =	vld [tilespmem:$0x640]  }
0xd8: {  	v62 =	vld [tilespmem:$0x740];
	_ =	sdelay $0x4  }
0xd9: {  	v2 =	vsub.f32 v62, v61  }
0xda: {  	v63 =	vpop (erf)  }
0xdb: {  	v2 =	vmul.f32 $5.756462920e-03, v2;
	v16 =	vpop (erf)  }
0xdc: {  	v4 =	vadd.f32 $1.000000000e+00, v16  }
0xdd: {  	v2 =	vmul.f32 $1.442695020e+00, v2  }
0xde: {  	(erf) = vrcp.f32 v4  }
0xdf: {  	(erf) = vpow2.f32 v2  }
0xe0: {  	v17 =	vld [tilespmem:$0x650]  }
0xe1: {  	v18 =	vld [tilespmem:$0x750];
	_ =	sdelay $0x4  }
0xe2: {  	v2 =	vsub.f32 v18, v17  }
0xe3: {  	v19 =	vpop (erf)  }
0xe4: {  	v2 =	vmul.f32 $5.756462920e-03, v2;
	v20 =	vpop (erf)  }
0xe5: {  	v5 =	vadd.f32 $1.000000000e+00, v20  }
0xe6: {  	v2 =	vmul.f32 $1.442695020e+00, v2  }
0xe7: {  	(erf) = vrcp.f32 v5  }
0xe8: {  	(erf) = vpow2.f32 v2  }
0xe9: {  	v21 =	vld [tilespmem:$0x660]  }
0xea: {  	v22 =	vld [tilespmem:$0x760];
	_ =	sdelay $0x4  }
0xeb: {  	v2 =	vsub.f32 v22, v21  }
0xec: {  	v23 =	vpop (erf)  }
0xed: {  	v2 =	vmul.f32 $5.756462920e-03, v2;
	v24 =	vpop (erf)  }
0xee: {  	v6 =	vadd.f32 $1.000000000e+00, v24  }
0xef: {  	v2 =	vmul.f32 $1.442695020e+00, v2  }
0xf0: {  	(erf) = vrcp.f32 v6  }
0xf1: {  	(erf) = vpow2.f32 v2  }
0xf2: {  	v25 =	vld [tilespmem:$0x670]  }
0xf3: {  	v26 =	vld [tilespmem:$0x770];
	_ =	sdelay $0x4  }
0xf4: {  	v2 =	vsub.f32 v26, v25  }
0xf5: {  	v27 =	vpop (erf)  }
0xf6: {  	v2 =	vmul.f32 $5.756462920e-03, v2;
	v28 =	vpop (erf)  }
0xf7: {  	v7 =	vadd.f32 $1.000000000e+00, v28  }
0xf8: {  	v2 =	vmul.f32 $1.442695020e+00, v2  }
0xf9: {  	(erf) = vrcp.f32 v7  }
0xfa: {  	(erf) = vpow2.f32 v2  }
0xfb: {  	v29 =	vld [tilespmem:$0x680]  }
0xfc: {  	v30 =	vld [tilespmem:$0x780];
	_ =	sdelay $0x4  }
0xfd: {  	v2 =	vsub.f32 v30, v29  }
0xfe: {  	v31 =	vpop (erf)  }
0xff: {  	v2 =	vmul.f32 $5.756462920e-03, v2;
	v32 =	vpop (erf)  }
0x100: {  	v8 =	vadd.f32 $1.000000000e+00, v32  }
0x101: {  	v2 =	vmul.f32 $1.442695020e+00, v2  }
0x102: {  	(erf) = vrcp.f32 v8  }
0x103: {  	(erf) = vpow2.f32 v2  }
0x104: {  	v33 =	vld [tilespmem:$0x690]  }
0x105: {  	v34 =	vld [tilespmem:$0x790];
	_ =	sdelay $0x4  }
0x106: {  	v2 =	vsub.f32 v34, v33  }
0x107: {  	v35 =	vpop (erf)  }
0x108: {  	v2 =	vmul.f32 $5.756462920e-03, v2;
	v36 =	vpop (erf)  }
0x109: {  	v9 =	vadd.f32 $1.000000000e+00, v36  }
0x10a: {  	v2 =	vmul.f32 $1.442695020e+00, v2  }
0x10b: {  	(erf) = vrcp.f32 v9  }
0x10c: {  	(erf) = vpow2.f32 v2  }
0x10d: {  	v37 =	vld [tilespmem:$0x6A0]  }
0x10e: {  	v38 =	vld [tilespmem:$0x7A0];
	_ =	sdelay $0x4  }
0x10f: {  	v2 =	vsub.f32 v38, v37  }
0x110: {  	v39 =	vpop (erf)  }
0x111: {  	v2 =	vmul.f32 $5.756462920e-03, v2;
	v40 =	vpop (erf)  }
0x112: {  	v10 =	vadd.f32 $1.000000000e+00, v40  }
0x113: {  	v2 =	vmul.f32 $1.442695020e+00, v2  }
0x114: {  	(erf) = vrcp.f32 v10  }
0x115: {  	(erf) = vpow2.f32 v2  }
0x116: {  	v41 =	vld [tilespmem:$0x6B0]  }
0x117: {  	v42 =	vld [tilespmem:$0x7B0];
	_ =	sdelay $0x4  }
0x118: {  	v2 =	vsub.f32 v42, v41  }
0x119: {  	v43 =	vpop (erf)  }
0x11a: {  	v2 =	vmul.f32 $5.756462920e-03, v2;
	v44 =	vpop (erf)  }
0x11b: {  	v11 =	vadd.f32 $1.000000000e+00, v44  }
0x11c: {  	v2 =	vmul.f32 $1.442695020e+00, v2  }
0x11d: {  	(erf) = vrcp.f32 v11  }
0x11e: {  	(erf) = vpow2.f32 v2  }
0x11f: {  	v45 =	vld [tilespmem:$0x6C0]  }
0x120: {  	v46 =	vld [tilespmem:$0x7C0];
	_ =	sdelay $0x4  }
0x121: {  	v2 =	vsub.f32 v46, v45  }
0x122: {  	v47 =	vpop (erf)  }
0x123: {  	v2 =	vmul.f32 $5.756462920e-03, v2;
	v48 =	vpop (erf)  }
0x124: {  	v12 =	vadd.f32 $1.000000000e+00, v48  }
0x125: {  	v2 =	vmul.f32 $1.442695020e+00, v2  }
0x126: {  	(erf) = vrcp.f32 v12  }
0x127: {  	(erf) = vpow2.f32 v2  }
0x128: {  	v49 =	vld [tilespmem:$0x6D0]  }
0x129: {  	v50 =	vld [tilespmem:$0x7D0];
	_ =	sdelay $0x4  }
0x12a: {  	v2 =	vsub.f32 v50, v49  }
0x12b: {  	v51 =	vpop (erf)  }
0x12c: {  	v2 =	vmul.f32 $5.756462920e-03, v2;
	v52 =	vpop (erf)  }
0x12d: {  	v13 =	vadd.f32 $1.000000000e+00, v52  }
0x12e: {  	v2 =	vmul.f32 $1.442695020e+00, v2  }
0x12f: {  	(erf) = vrcp.f32 v13  }
0x130: {  	(erf) = vpow2.f32 v2  }
0x131: {  	v53 =	vld [tilespmem:$0x6E0]  }
0x132: {  	v54 =	vld [tilespmem:$0x7E0];
	_ =	sdelay $0x4  }
0x133: {  	v2 =	vsub.f32 v54, v53  }
0x134: {  	v55 =	vpop (erf)  }
0x135: {  	v2 =	vmul.f32 $5.756462920e-03, v2;
	v56 =	vpop (erf)  }
0x136: {  	v14 =	vadd.f32 $1.000000000e+00, v56  }
0x137: {  	v2 =	vmul.f32 $1.442695020e+00, v2  }
0x138: {  	(erf) = vrcp.f32 v14  }
0x139: {  	(erf) = vpow2.f32 v2  }
0x13a: {  	v57 =	vld [tilespmem:$0x6F0]  }
0x13b: {  	v58 =	vld [tilespmem:$0x7F0];
	_ =	sdelay $0x4  }
0x13c: {  	v2 =	vsub.f32 v58, v57  }
0x13d: {  	v59 =	vpop (erf)  }
0x13e: {  	v2 =	vmul.f32 $5.756462920e-03, v2;
	v60 =	vpop (erf)  }
0x13f: {  	v15 =	vadd.f32 $1.000000000e+00, v60  }
0x140: {  	v2 =	vmul.f32 $1.442695020e+00, v2  }
0x141: {  	(erf) = vrcp.f32 v15  }
0x142: {  	(erf) = vpow2.f32 v2;
	_ =	sdelay $0x6  }
0x143: {  	[tilespmem:$0x600] =	vst v0  }
0x144: {  	[tilespmem:$0x610] =	vst v1;
	v61 =	vpop (erf)  }
0x145: {  	[tilespmem:$0x620] =	vst v63;
	v62 =	vpop (erf)  }
0x146: {  	[tilespmem:$0x630] =	vst v19;
	v1 =	vadd.f32 $1.000000000e+00, v62  }
0x147: {  	[tilespmem:$0x640] =	vst v23  }
0x148: {  	[tilespmem:$0x650] =	vst v27;
	(erf) = vrcp.f32 v1  }
0x149: {  	[tilespmem:$0x660] =	vst v31  }
0x14a: {  	[tilespmem:$0x670] =	vst v35  }
0x14b: {  	[tilespmem:$0x680] =	vst v39  }
0x14c: {  	[tilespmem:$0x690] =	vst v43  }
0x14d: {  	[tilespmem:$0x6A0] =	vst v47  }
0x14e: {  	[tilespmem:$0x6B0] =	vst v51  }
0x14f: {  	[tilespmem:$0x6C0] =	vst v55  }
0x150: {  	[tilespmem:$0x6D0] =	vst v59  }
0x151: {  	[tilespmem:$0x6E0] =	vst v61;
	v63 =	vpop (erf)  }
0x152: {  	[tilespmem:$0x6F0] =	vst v63  }
0x153: {  	[hbm4b:s6+s3] =	stream.linear.scatter [tilespmem:s11], [sflag:$0x3], $0x100, $0x38;
	[tilespmem:$0x800] =	vst v63  }
0x154: {  	p0 =	sne.s32 s7, $0x1;
	_ =	swait.ge [sflag:s13], $0x100  }
.Ltmp0:
0x155: {  	[sflag:s13] =	ssyncset.done $0x0;
	(pc) =	sbr.rel @p0 .LBB2_1-.Ltmp0, $4  }
0x156: {  	[sflag:s13] =	ssyncadd.s32 $0xFFFFFF00  }
0x157: {  	_ =	swait.ge [sflag:s13], $0x100  }
0x158: {  	[sflag:s13] =	ssyncset.done $0x0  }
0x159: {  	s7 =	sadd.s32 $0xFFFFFFFF, s7;
	[sflag:s13] =	ssyncadd.s32 $0xFFFFFF00  }
0x15a: {  	_ =	sfence.sel $0x180000  }
0x15b: {  	[bflag:$0x0] =	sbarrier.arrive $0xFFFF  }
0x15c: {  	p0 =	sne.s32 s2, $0x0;
	_ =	strace $0x90000047  }
0x15d: {  	s0 =	sadd.s32 @!p0 $0x100000, s0;
	[bflag:$0x2] =	sbarrier.arrive $0xFFFF  }
0x15e: {  	[sflag:s0] =	ssyncadd.tile.s32 @!p0 $0x1;
	_ =	shalt  }
.Lfunc_end2:
_tile_overlayer_lowered:
.L_overlay_start_2:
0x15f: {  	(tag) =	ssettag $0x2  }
0x160: {  	s0 =	rddreg [dreg:$0x0];
	s2 =	stileid.u32  }
0x161: {  	s1 =	rddreg [dreg:$0x1];
	p0 =	sne.s32 s2, $0x0  }
0x162: {  	s3 =	rddreg [dreg:$0x2];
	[bflag:$0x3] =	sbarrier.arrive $0xFFFF;
	s2 =	simm.s32 @!p0 $0x1C04  }
0x163: {  	[timem:s3], [sflag:s2] =	dma.local @!p0 [hbm:s0], s1  }
0x164: {  	s0 =	simm.s32 @!p0 $0x4  }
0x165: {  	_ =	swait.ge @!p0 [sflag:s0], s1  }
0x166: {  	s1 =	ssub.s32 @!p0 $0x0, s1;
	[sflag:s0] =	ssyncset.done @!p0 $0x0  }
0x167: {  	[sflag:s0] =	ssyncadd.s32 @!p0 s1  }
0x168: {  	[bflag:$0x3] =	sbarrier.arrive $0xFFFF  }
0x169: {  	_ =	shalt  }

</sc_bundles>
